<compile_context>
chip_gen: v7x
topology: tpu7x:2x2x1
jax: 0.10.2.dev20260603
libtpu: 0.0.44.dev20260713+nightly
codegen_flags: <defaults>
</compile_context>

<pallas_src>
import jax
import jax.numpy as jnp
from jax import lax
from jax.experimental import pallas as pl
from jax.experimental.pallas import tpu as pltpu
from jax.experimental.pallas import tpu_sc as plsc

ROWS_IN = 500000
ROWS_OUT = 250000
D = 128
L = 16
NBUF = 4
C = 240
NCHUNK = ROWS_OUT // C
TAIL = ROWS_OUT - NCHUNK * C
TAIL_BASE = NCHUNK * C
NC = 2
NS = 16
NW = NC * NS
TAIL_WID = NCHUNK % NW


def _sc_body(x_hbm, out_hbm, *scratch):
    idxs = scratch[0:NBUF]
    rows = scratch[NBUF:2 * NBUF]
    gsems = scratch[2 * NBUF:3 * NBUF]
    wsems = scratch[3 * NBUF:4 * NBUF]

    wid = lax.axis_index("s") * NC + lax.axis_index("c")
    start = (wid * NCHUNK) // NW
    end = ((wid + 1) * NCHUNK) // NW
    niter = end - start

    lane2 = 2 * lax.iota(jnp.int32, L)

    def build_idx(idx_v, base, n):
        base2 = 2 * base
        for j in range(n // L):
            idx_v[pl.ds(j * L, L)] = base2 + 2 * j * L + lane2
        if n % L:
            off = n - L
            idx_v[pl.ds(off, L)] = base2 + 2 * off + lane2

    def start_gather(c, idx_v, rows_v, gsem):
        build_idx(idx_v, c * C, C)
        pltpu.async_copy(x_hbm.at[idx_v], rows_v, gsem)

    start_gather(start, idxs[0], rows[0], gsems[0])

    def chunk_body(k, _):
        def step(p):
            nxt = (p + 1) % NBUF

            @pl.when(k + 1 < niter)
            def _():
                @pl.when(k + 1 >= NBUF)
                def _():
                    pltpu.make_async_copy(
                        rows[nxt], out_hbm.at[pl.ds(0, C)], wsems[nxt]
                    ).wait()

                start_gather(start + k + 1, idxs[nxt], rows[nxt], gsems[nxt])

            pltpu.make_async_copy(x_hbm.at[idxs[p]], rows[p], gsems[p]).wait()
            c = start + k
            pltpu.async_copy(rows[p], out_hbm.at[pl.ds(c * C, C)], wsems[p])

        for p in range(NBUF):
            @pl.when(k % NBUF == p)
            def _(p=p):
                step(p)

        return 0

    lax.fori_loop(0, niter, chunk_body, 0)
    for p in range(NBUF):
        pltpu.make_async_copy(rows[p], out_hbm.at[pl.ds(0, C)], wsems[p]).wait()

    if TAIL:
        @pl.when(wid == TAIL_WID)
        def _():
            build_idx(idxs[0], TAIL_BASE, TAIL)
            tail_rows = rows[0].at[pl.ds(0, TAIL)]
            pltpu.async_copy(
                x_hbm.at[idxs[0].at[pl.ds(0, TAIL)]], tail_rows, gsems[0]
            ).wait()
            pltpu.sync_copy(tail_rows, out_hbm.at[pl.ds(TAIL_BASE, TAIL)])


def kernel(x):
    mesh = plsc.VectorSubcoreMesh(core_axis_name="c", subcore_axis_name="s")
    run = pl.kernel(
        _sc_body,
        mesh=mesh,
        out_type=jax.ShapeDtypeStruct((ROWS_OUT, D), jnp.float32),
        scratch_types=(
            [pltpu.VMEM((C,), jnp.int32) for _ in range(NBUF)]
            + [pltpu.VMEM((C, D), jnp.float32) for _ in range(NBUF)]
            + [pltpu.SemaphoreType.DMA for _ in range(2 * NBUF)]
        ),
    )
    return run(x)

# --- scband reference (transcript-rebuilt; emitter-appended) ---
"""Pipeline reference for scband-filter-encoder-28887950033030 (READ-ONLY COPY).

The authoritative reference and input builder live on the scoring server;
editing this copy changes nothing except your own understanding.
"""

import jax, jax.numpy as jnp
import numpy as np

# FilterEncoder is abstract (filter() raises NotImplementedError).
# We instantiate a concrete deterministic filter: stride-2 row subsampling
# (select every other index along `dim`). forward = index_select(x, dim, filter(x)).

DIM = 0

def _filter(x):
    # concrete filter: even indices along DIM -> int64 index vector
    return jnp.arange(0, x.shape[DIM], 2, dtype=jnp.int64)

def setup_inputs(seed: int = 0) -> dict:
    key = jax.random.key(seed)
    x = jax.random.normal(key, (500000, 128), dtype=jnp.float32)
    return {"x": x}

def reference(x):
    idx = _filter(x)
    # torch.index_select(x, dim, idx) == jnp.take(x, idx, axis=dim)
    return jnp.take(x, idx, axis=DIM)

if __name__ == "__main__":
    import jax
    _d = setup_inputs()
    print(jax.jit(kernel)(*tuple(_d.values())))

</pallas_src>

<mosaic_0001>
#map = affine_map<(d0, d1) -> (0, 0)>
module attributes {stable_mosaic.version = 14 : i64} {
  func.func @_sc_body(%arg0: i32, %arg1: i32, %arg2: memref<500000x128xf32, #tpu.memory_space<hbm>>, %arg3: memref<250000x128xf32, #tpu.memory_space<hbm>>, %arg4: memref<240xi32, #tpu.memory_space<vmem>>, %arg5: memref<240xi32, #tpu.memory_space<vmem>>, %arg6: memref<240xi32, #tpu.memory_space<vmem>>, %arg7: memref<240xi32, #tpu.memory_space<vmem>>, %arg8: memref<240x128xf32, #tpu.memory_space<vmem>>, %arg9: memref<240x128xf32, #tpu.memory_space<vmem>>, %arg10: memref<240x128xf32, #tpu.memory_space<vmem>>, %arg11: memref<240x128xf32, #tpu.memory_space<vmem>>, %arg12: memref<!tpu.dma_semaphore, #tpu.memory_space<semaphore_mem>>, %arg13: memref<!tpu.dma_semaphore, #tpu.memory_space<semaphore_mem>>, %arg14: memref<!tpu.dma_semaphore, #tpu.memory_space<semaphore_mem>>, %arg15: memref<!tpu.dma_semaphore, #tpu.memory_space<semaphore_mem>>, %arg16: memref<!tpu.dma_semaphore, #tpu.memory_space<semaphore_mem>>, %arg17: memref<!tpu.dma_semaphore, #tpu.memory_space<semaphore_mem>>, %arg18: memref<!tpu.dma_semaphore, #tpu.memory_space<semaphore_mem>>, %arg19: memref<!tpu.dma_semaphore, #tpu.memory_space<semaphore_mem>>) attributes {dimension_semantics = [#tpu.dimension_semantics<core_parallel>, #tpu.dimension_semantics<subcore_parallel>], iteration_bounds = array<i64: 2, 16>, scalar_prefetch = 0 : i64, scratch_operands = 16 : i64, tpu.core_type = #tpu.core_type<sc_vector_subcore>, window_params = [{transform_indices = #map}, {transform_indices = #map}]} {
    %mul3A = arith.constant 2 : i32
    %mul3A_0 = arith.muli %arg1, %mul3A : i32
    %add3A = arith.addi %mul3A_0, %arg0 : i32
    %mul3A_1 = arith.constant 1041 : i32
    %mul3A_2 = arith.muli %add3A, %mul3A_1 : i32
    %jit3A = arith.constant 32 : i32
    %div3A = arith.divsi %mul3A_2, %jit3A : i32
    %sign3A = arith.constant 0 : i32
    %sign3A_3 = arith.cmpi sgt, %mul3A_2, %sign3A : i32
    %sign3A_4 = arith.extui %sign3A_3 : i1 to i32
    %sign3A_5 = arith.constant 0 : i32
    %sign3A_6 = arith.cmpi slt, %mul3A_2, %sign3A_5 : i32
    %sign3A_7 = arith.extui %sign3A_6 : i1 to i32
    %sign3A_8 = arith.subi %sign3A_4, %sign3A_7 : i32
    %sign3A_9 = arith.constant 0 : i32
    %sign3A_10 = arith.cmpi sgt, %jit3A, %sign3A_9 : i32
    %sign3A_11 = arith.extui %sign3A_10 : i1 to i32
    %sign3A_12 = arith.constant 0 : i32
    %sign3A_13 = arith.cmpi slt, %jit3A, %sign3A_12 : i32
    %sign3A_14 = arith.extui %sign3A_13 : i1 to i32
    %sign3A_15 = arith.subi %sign3A_11, %sign3A_14 : i32
    %ne3A = arith.cmpi ne, %sign3A_8, %sign3A_15 : i32
    %rem3A = arith.remsi %mul3A_2, %jit3A : i32
    %ne3A_16 = arith.constant 0 : i32
    %ne3A_17 = arith.cmpi ne, %rem3A, %ne3A_16 : i32
    %and3A = arith.andi %ne3A, %ne3A_17 : i1
    %sub3A = arith.constant 1 : i32
    %sub3A_18 = arith.subi %div3A, %sub3A : i32
    %select_n3A = arith.select %and3A, %sub3A_18, %div3A : i32
    %add3A_19 = arith.constant 1 : i32
    %add3A_20 = arith.addi %add3A, %add3A_19 : i32
    %mul3A_21 = arith.constant 1041 : i32
    %mul3A_22 = arith.muli %add3A_20, %mul3A_21 : i32
    %jit3A_23 = arith.constant 32 : i32
    %div3A_24 = arith.divsi %mul3A_22, %jit3A_23 : i32
    %sign3A_25 = arith.constant 0 : i32
    %sign3A_26 = arith.cmpi sgt, %mul3A_22, %sign3A_25 : i32
    %sign3A_27 = arith.extui %sign3A_26 : i1 to i32
    %sign3A_28 = arith.constant 0 : i32
    %sign3A_29 = arith.cmpi slt, %mul3A_22, %sign3A_28 : i32
    %sign3A_30 = arith.extui %sign3A_29 : i1 to i32
    %sign3A_31 = arith.subi %sign3A_27, %sign3A_30 : i32
    %sign3A_32 = arith.constant 0 : i32
    %sign3A_33 = arith.cmpi sgt, %jit3A_23, %sign3A_32 : i32
    %sign3A_34 = arith.extui %sign3A_33 : i1 to i32
    %sign3A_35 = arith.constant 0 : i32
    %sign3A_36 = arith.cmpi slt, %jit3A_23, %sign3A_35 : i32
    %sign3A_37 = arith.extui %sign3A_36 : i1 to i32
    %sign3A_38 = arith.subi %sign3A_34, %sign3A_37 : i32
    %ne3A_39 = arith.cmpi ne, %sign3A_31, %sign3A_38 : i32
    %rem3A_40 = arith.remsi %mul3A_22, %jit3A_23 : i32
    %ne3A_41 = arith.constant 0 : i32
    %ne3A_42 = arith.cmpi ne, %rem3A_40, %ne3A_41 : i32
    %and3A_43 = arith.andi %ne3A_39, %ne3A_42 : i1
    %sub3A_44 = arith.constant 1 : i32
    %sub3A_45 = arith.subi %div3A_24, %sub3A_44 : i32
    %select_n3A_46 = arith.select %and3A_43, %sub3A_45, %div3A_24 : i32
    %sub3A_47 = arith.subi %select_n3A_46, %select_n3A : i32
    %iota3A = tpu.iota {dimensions = array<i32: 0>} : vector<16xi32>
    %mul3A_48 = arith.constant 2 : i32
    %mul3A_49 = vector.broadcast %mul3A_48 : i32 to vector<16xi32>
    %mul3A_50 = arith.muli %mul3A_49, %iota3A : vector<16xi32>
    %mul3A_51 = arith.constant 240 : i32
    %mul3A_52 = arith.muli %select_n3A, %mul3A_51 : i32
    %mul3A_53 = arith.constant 2 : i32
    %mul3A_54 = arith.muli %mul3A_53, %mul3A_52 : i32
    %add3A_55 = arith.constant 0 : i32
    %add3A_56 = arith.addi %mul3A_54, %add3A_55 : i32
    %add3A_57 = vector.broadcast %add3A_56 : i32 to vector<16xi32>
    %add3A_58 = arith.addi %add3A_57, %mul3A_50 : vector<16xi32>
    %swap3A = arith.constant 0 : index
    %swap3A_59 = tpu.vector_load %arg4[%swap3A] {strides = array<i32>} : memref<240xi32, #tpu.memory_space<vmem>>, vector<16xi32>,
    %swap3A_60 = vector.shape_cast %swap3A_59 : vector<16xi32> to vector<16xi32>
    %swap3A_61 = vector.shape_cast %add3A_58 : vector<16xi32> to vector<16xi32>
    tpu.vector_store %arg4[%swap3A], %swap3A_61 {strides = array<i32>} : memref<240xi32, #tpu.memory_space<vmem>>, vector<16xi32>,
    %add3A_62 = arith.constant 32 : i32
    %add3A_63 = arith.addi %mul3A_54, %add3A_62 : i32
    %add3A_64 = vector.broadcast %add3A_63 : i32 to vector<16xi32>
    %add3A_65 = arith.addi %add3A_64, %mul3A_50 : vector<16xi32>
    %swap3A_66 = arith.constant 16 : index
    %swap3A_67 = tpu.vector_load %arg4[%swap3A_66] {strides = array<i32>} : memref<240xi32, #tpu.memory_space<vmem>>, vector<16xi32>,
    %swap3A_68 = vector.shape_cast %swap3A_67 : vector<16xi32> to vector<16xi32>
    %swap3A_69 = vector.shape_cast %add3A_65 : vector<16xi32> to vector<16xi32>
    tpu.vector_store %arg4[%swap3A_66], %swap3A_69 {strides = array<i32>} : memref<240xi32, #tpu.memory_space<vmem>>, vector<16xi32>,
    %add3A_70 = arith.constant 64 : i32
    %add3A_71 = arith.addi %mul3A_54, %add3A_70 : i32
    %add3A_72 = vector.broadcast %add3A_71 : i32 to vector<16xi32>
    %add3A_73 = arith.addi %add3A_72, %mul3A_50 : vector<16xi32>
    %swap3A_74 = arith.constant 32 : index
    %swap3A_75 = tpu.vector_load %arg4[%swap3A_74] {strides = array<i32>} : memref<240xi32, #tpu.memory_space<vmem>>, vector<16xi32>,
    %swap3A_76 = vector.shape_cast %swap3A_75 : vector<16xi32> to vector<16xi32>
    %swap3A_77 = vector.shape_cast %add3A_73 : vector<16xi32> to vector<16xi32>
    tpu.vector_store %arg4[%swap3A_74], %swap3A_77 {strides = array<i32>} : memref<240xi32, #tpu.memory_space<vmem>>, vector<16xi32>,
    %add3A_78 = arith.constant 96 : i32
    %add3A_79 = arith.addi %mul3A_54, %add3A_78 : i32
    %add3A_80 = vector.broadcast %add3A_79 : i32 to vector<16xi32>
    %add3A_81 = arith.addi %add3A_80, %mul3A_50 : vector<16xi32>
    %swap3A_82 = arith.constant 48 : index
    %swap3A_83 = tpu.vector_load %arg4[%swap3A_82] {strides = array<i32>} : memref<240xi32, #tpu.memory_space<vmem>>, vector<16xi32>,
    %swap3A_84 = vector.shape_cast %swap3A_83 : vector<16xi32> to vector<16xi32>
    %swap3A_85 = vector.shape_cast %add3A_81 : vector<16xi32> to vector<16xi32>
    tpu.vector_store %arg4[%swap3A_82], %swap3A_85 {strides = array<i32>} : memref<240xi32, #tpu.memory_space<vmem>>, vector<16xi32>,
    %add3A_86 = arith.constant 128 : i32
    %add3A_87 = arith.addi %mul3A_54, %add3A_86 : i32
    %add3A_88 = vector.broadcast %add3A_87 : i32 to vector<16xi32>
    %add3A_89 = arith.addi %add3A_88, %mul3A_50 : vector<16xi32>
    %swap3A_90 = arith.constant 64 : index
    %swap3A_91 = tpu.vector_load %arg4[%swap3A_90] {strides = array<i32>} : memref<240xi32, #tpu.memory_space<vmem>>, vector<16xi32>,
    %swap3A_92 = vector.shape_cast %swap3A_91 : vector<16xi32> to vector<16xi32>
    %swap3A_93 = vector.shape_cast %add3A_89 : vector<16xi32> to vector<16xi32>
    tpu.vector_store %arg4[%swap3A_90], %swap3A_93 {strides = array<i32>} : memref<240xi32, #tpu.memory_space<vmem>>, vector<16xi32>,
    %add3A_94 = arith.constant 160 : i32
    %add3A_95 = arith.addi %mul3A_54, %add3A_94 : i32
    %add3A_96 = vector.broadcast %add3A_95 : i32 to vector<16xi32>
    %add3A_97 = arith.addi %add3A_96, %mul3A_50 : vector<16xi32>
    %swap3A_98 = arith.constant 80 : index
    %swap3A_99 = tpu.vector_load %arg4[%swap3A_98] {strides = array<i32>} : memref<240xi32, #tpu.memory_space<vmem>>, vector<16xi32>,
    %swap3A_100 = vector.shape_cast %swap3A_99 : vector<16xi32> to vector<16xi32>
    %swap3A_101 = vector.shape_cast %add3A_97 : vector<16xi32> to vector<16xi32>
    tpu.vector_store %arg4[%swap3A_98], %swap3A_101 {strides = array<i32>} : memref<240xi32, #tpu.memory_space<vmem>>, vector<16xi32>,
    %add3A_102 = arith.constant 192 : i32
    %add3A_103 = arith.addi %mul3A_54, %add3A_102 : i32
    %add3A_104 = vector.broadcast %add3A_103 : i32 to vector<16xi32>
    %add3A_105 = arith.addi %add3A_104, %mul3A_50 : vector<16xi32>
    %swap3A_106 = arith.constant 96 : index
    %swap3A_107 = tpu.vector_load %arg4[%swap3A_106] {strides = array<i32>} : memref<240xi32, #tpu.memory_space<vmem>>, vector<16xi32>,
    %swap3A_108 = vector.shape_cast %swap3A_107 : vector<16xi32> to vector<16xi32>
    %swap3A_109 = vector.shape_cast %add3A_105 : vector<16xi32> to vector<16xi32>
    tpu.vector_store %arg4[%swap3A_106], %swap3A_109 {strides = array<i32>} : memref<240xi32, #tpu.memory_space<vmem>>, vector<16xi32>,
    %add3A_110 = arith.constant 224 : i32
    %add3A_111 = arith.addi %mul3A_54, %add3A_110 : i32
    %add3A_112 = vector.broadcast %add3A_111 : i32 to vector<16xi32>
    %add3A_113 = arith.addi %add3A_112, %mul3A_50 : vector<16xi32>
    %swap3A_114 = arith.constant 112 : index
    %swap3A_115 = tpu.vector_load %arg4[%swap3A_114] {strides = array<i32>} : memref<240xi32, #tpu.memory_space<vmem>>, vector<16xi32>,
    %swap3A_116 = vector.shape_cast %swap3A_115 : vector<16xi32> to vector<16xi32>
    %swap3A_117 = vector.shape_cast %add3A_113 : vector<16xi32> to vector<16xi32>
    tpu.vector_store %arg4[%swap3A_114], %swap3A_117 {strides = array<i32>} : memref<240xi32, #tpu.memory_space<vmem>>, vector<16xi32>,
    %add3A_118 = arith.constant 256 : i32
    %add3A_119 = arith.addi %mul3A_54, %add3A_118 : i32
    %add3A_120 = vector.broadcast %add3A_119 : i32 to vector<16xi32>
    %add3A_121 = arith.addi %add3A_120, %mul3A_50 : vector<16xi32>
    %swap3A_122 = arith.constant 128 : index
    %swap3A_123 = tpu.vector_load %arg4[%swap3A_122] {strides = array<i32>} : memref<240xi32, #tpu.memory_space<vmem>>, vector<16xi32>,
    %swap3A_124 = vector.shape_cast %swap3A_123 : vector<16xi32> to vector<16xi32>
    %swap3A_125 = vector.shape_cast %add3A_121 : vector<16xi32> to vector<16xi32>
    tpu.vector_store %arg4[%swap3A_122], %swap3A_125 {strides = array<i32>} : memref<240xi32, #tpu.memory_space<vmem>>, vector<16xi32>,
    %add3A_126 = arith.constant 288 : i32
    %add3A_127 = arith.addi %mul3A_54, %add3A_126 : i32
    %add3A_128 = vector.broadcast %add3A_127 : i32 to vector<16xi32>
    %add3A_129 = arith.addi %add3A_128, %mul3A_50 : vector<16xi32>
    %swap3A_130 = arith.constant 144 : index
    %swap3A_131 = tpu.vector_load %arg4[%swap3A_130] {strides = array<i32>} : memref<240xi32, #tpu.memory_space<vmem>>, vector<16xi32>,
    %swap3A_132 = vector.shape_cast %swap3A_131 : vector<16xi32> to vector<16xi32>
    %swap3A_133 = vector.shape_cast %add3A_129 : vector<16xi32> to vector<16xi32>
    tpu.vector_store %arg4[%swap3A_130], %swap3A_133 {strides = array<i32>} : memref<240xi32, #tpu.memory_space<vmem>>, vector<16xi32>,
    %add3A_134 = arith.constant 320 : i32
    %add3A_135 = arith.addi %mul3A_54, %add3A_134 : i32
    %add3A_136 = vector.broadcast %add3A_135 : i32 to vector<16xi32>
    %add3A_137 = arith.addi %add3A_136, %mul3A_50 : vector<16xi32>
    %swap3A_138 = arith.constant 160 : index
    %swap3A_139 = tpu.vector_load %arg4[%swap3A_138] {strides = array<i32>} : memref<240xi32, #tpu.memory_space<vmem>>, vector<16xi32>,
    %swap3A_140 = vector.shape_cast %swap3A_139 : vector<16xi32> to vector<16xi32>
    %swap3A_141 = vector.shape_cast %add3A_137 : vector<16xi32> to vector<16xi32>
    tpu.vector_store %arg4[%swap3A_138], %swap3A_141 {strides = array<i32>} : memref<240xi32, #tpu.memory_space<vmem>>, vector<16xi32>,
    %add3A_142 = arith.constant 352 : i32
    %add3A_143 = arith.addi %mul3A_54, %add3A_142 : i32
    %add3A_144 = vector.broadcast %add3A_143 : i32 to vector<16xi32>
    %add3A_145 = arith.addi %add3A_144, %mul3A_50 : vector<16xi32>
    %swap3A_146 = arith.constant 176 : index
    %swap3A_147 = tpu.vector_load %arg4[%swap3A_146] {strides = array<i32>} : memref<240xi32, #tpu.memory_space<vmem>>, vector<16xi32>,
    %swap3A_148 = vector.shape_cast %swap3A_147 : vector<16xi32> to vector<16xi32>
    %swap3A_149 = vector.shape_cast %add3A_145 : vector<16xi32> to vector<16xi32>
    tpu.vector_store %arg4[%swap3A_146], %swap3A_149 {strides = array<i32>} : memref<240xi32, #tpu.memory_space<vmem>>, vector<16xi32>,
    %add3A_150 = arith.constant 384 : i32
    %add3A_151 = arith.addi %mul3A_54, %add3A_150 : i32
    %add3A_152 = vector.broadcast %add3A_151 : i32 to vector<16xi32>
    %add3A_153 = arith.addi %add3A_152, %mul3A_50 : vector<16xi32>
    %swap3A_154 = arith.constant 192 : index
    %swap3A_155 = tpu.vector_load %arg4[%swap3A_154] {strides = array<i32>} : memref<240xi32, #tpu.memory_space<vmem>>, vector<16xi32>,
    %swap3A_156 = vector.shape_cast %swap3A_155 : vector<16xi32> to vector<16xi32>
    %swap3A_157 = vector.shape_cast %add3A_153 : vector<16xi32> to vector<16xi32>
    tpu.vector_store %arg4[%swap3A_154], %swap3A_157 {strides = array<i32>} : memref<240xi32, #tpu.memory_space<vmem>>, vector<16xi32>,
    %add3A_158 = arith.constant 416 : i32
    %add3A_159 = arith.addi %mul3A_54, %add3A_158 : i32
    %add3A_160 = vector.broadcast %add3A_159 : i32 to vector<16xi32>
    %add3A_161 = arith.addi %add3A_160, %mul3A_50 : vector<16xi32>
    %swap3A_162 = arith.constant 208 : index
    %swap3A_163 = tpu.vector_load %arg4[%swap3A_162] {strides = array<i32>} : memref<240xi32, #tpu.memory_space<vmem>>, vector<16xi32>,
    %swap3A_164 = vector.shape_cast %swap3A_163 : vector<16xi32> to vector<16xi32>
    %swap3A_165 = vector.shape_cast %add3A_161 : vector<16xi32> to vector<16xi32>
    tpu.vector_store %arg4[%swap3A_162], %swap3A_165 {strides = array<i32>} : memref<240xi32, #tpu.memory_space<vmem>>, vector<16xi32>,
    %add3A_166 = arith.constant 448 : i32
    %add3A_167 = arith.addi %mul3A_54, %add3A_166 : i32
    %add3A_168 = vector.broadcast %add3A_167 : i32 to vector<16xi32>
    %add3A_169 = arith.addi %add3A_168, %mul3A_50 : vector<16xi32>
    %swap3A_170 = arith.constant 224 : index
    %swap3A_171 = tpu.vector_load %arg4[%swap3A_170] {strides = array<i32>} : memref<240xi32, #tpu.memory_space<vmem>>, vector<16xi32>,
    %swap3A_172 = vector.shape_cast %swap3A_171 : vector<16xi32> to vector<16xi32>
    %swap3A_173 = vector.shape_cast %add3A_169 : vector<16xi32> to vector<16xi32>
    tpu.vector_store %arg4[%swap3A_170], %swap3A_173 {strides = array<i32>} : memref<240xi32, #tpu.memory_space<vmem>>, vector<16xi32>,
    %dma_start3A = arith.constant 0 : i32
    %dma_start3A_174 = arith.constant 0 : i32
    %dma_start3A_175 = tpu.memref_slice %arg2[%dma_start3A, %dma_start3A_174] : memref<500000x128xf32, #tpu.memory_space<hbm>> -> memref<500000x128xf32, #tpu.memory_space<hbm>>
    tpu.enqueue_indirect_dma source(%dma_start3A_175 : memref<500000x128xf32, #tpu.memory_space<hbm>>) target(%arg8 : memref<240x128xf32, #tpu.memory_space<vmem>>) offsets(%arg4 : memref<240xi32, #tpu.memory_space<vmem>>) semaphore(%arg12 : memref<!tpu.dma_semaphore, #tpu.memory_space<semaphore_mem>>)
    %while3A = arith.constant 0 : i32
    %while3A_176 = arith.constant 0 : i32
    %while3A_177 = arith.subi %sub3A_47, %while3A : i32
    %while3A_178 = arith.addi %while3A, %while3A_177 : i32
    %while3A_179 = arith.constant 1 : i32
    %while3A_180 = arith.divsi %while3A_177, %while3A_179 : i32
    %while3A_181 = arith.muli %while3A_180, %while3A_179 : i32
    %while3A_182 = arith.addi %while3A, %while3A_181 : i32
    %while3A_183 = arith.constant 1 : i32
    %while3A_184 = scf.for %while3A_212 = %while3A to %while3A_182 step %while3A_183 iter_args(%while3A_213 = %while3A_176) -> (i32)  : i32 {
      %jit3A_214 = arith.constant 4 : i32
      %eq3A_215 = arith.constant 0 : i32
      %eq3A_216 = arith.cmpi eq, %jit3A_214, %eq3A_215 : i32
      %jit3A_217 = arith.constant 1 : i32
      %select_n3A_218 = arith.select %eq3A_216, %jit3A_217, %jit3A_214 : i32
      %rem3A_219 = arith.remsi %while3A_212, %select_n3A_218 : i32
      %ne3A_220 = arith.constant 0 : i32
      %ne3A_221 = arith.cmpi ne, %rem3A_219, %ne3A_220 : i32
      %lt3A = arith.constant 0 : i32
      %lt3A_222 = arith.cmpi slt, %rem3A_219, %lt3A : i32
      %lt3A_223 = arith.constant 0 : i32
      %lt3A_224 = arith.cmpi slt, %select_n3A_218, %lt3A_223 : i32
      %ne3A_225 = arith.xori %lt3A_222, %lt3A_224 : i1
      %and3A_226 = arith.andi %ne3A_225, %ne3A_221 : i1
      %add3A_227 = arith.addi %rem3A_219, %select_n3A_218 : i32
      %select_n3A_228 = arith.select %and3A_226, %add3A_227, %rem3A_219 : i32
      %eq3A_229 = arith.constant 0 : i32
      %eq3A_230 = arith.cmpi eq, %select_n3A_228, %eq3A_229 : i32
      %convert_element_type3A_231 = arith.extui %eq3A_230 : i1 to i32
      %cond3A_232 = arith.constant 0 : i32
      %cond3A_233 = arith.cmpi ne, %convert_element_type3A_231, %cond3A_232 : i32
      scf.if %cond3A_233 {
        %add3A_298 = arith.constant 1 : i32
        %add3A_299 = arith.addi %while3A_212, %add3A_298 : i32
        %lt3A_300 = arith.cmpi slt, %add3A_299, %sub3A_47 : i32
        %convert_element_type3A_301 = arith.extui %lt3A_300 : i1 to i32
        %cond3A_302 = arith.constant 0 : i32
        %cond3A_303 = arith.cmpi ne, %convert_element_type3A_301, %cond3A_302 : i32
        scf.if %cond3A_303 {
          %add3A_314 = arith.constant 1 : i32
          %add3A_315 = arith.addi %while3A_212, %add3A_314 : i32
          %ge3A = arith.constant 4 : i32
          %ge3A_316 = arith.cmpi sge, %add3A_315, %ge3A : i32
          %convert_element_type3A_317 = arith.extui %ge3A_316 : i1 to i32
          %cond3A_318 = arith.constant 0 : i32
          %cond3A_319 = arith.cmpi ne, %convert_element_type3A_317, %cond3A_318 : i32
          scf.if %cond3A_319 {
            %dma_wait3A_450 = arith.constant 0 : i32
            %dma_wait3A_451 = arith.constant 0 : i32
            %dma_wait3A_452 = tpu.memref_slice %arg3[%dma_wait3A_450, %dma_wait3A_451] : memref<250000x128xf32, #tpu.memory_space<hbm>> -> memref<240x128xf32, #tpu.memory_space<hbm>>
            %dma_wait3A_453 = arith.constant 0 : i32
            %dma_wait3A_454 = arith.constant 0 : i32
            %dma_wait3A_455 = tpu.memref_slice %arg3[%dma_wait3A_453, %dma_wait3A_454] : memref<250000x128xf32, #tpu.memory_space<hbm>> -> memref<240x128xf32, #tpu.memory_space<hbm>>
            tpu.wait_dma2 semaphore(%arg17 : memref<!tpu.dma_semaphore, #tpu.memory_space<semaphore_mem>>) src(%arg9 : memref<240x128xf32, #tpu.memory_space<vmem>>) dst(%dma_wait3A_455 : memref<240x128xf32, #tpu.memory_space<hbm>>)
          } else {
          }
          %add3A_320 = arith.addi %select_n3A, %while3A_212 : i32
          %add3A_321 = arith.constant 1 : i32
          %add3A_322 = arith.addi %add3A_320, %add3A_321 : i32
          %mul3A_323 = arith.constant 240 : i32
          %mul3A_324 = arith.muli %add3A_322, %mul3A_323 : i32
          %mul3A_325 = arith.constant 2 : i32
          %mul3A_326 = arith.muli %mul3A_325, %mul3A_324 : i32
          %add3A_327 = arith.constant 0 : i32
          %add3A_328 = arith.addi %mul3A_326, %add3A_327 : i32
          %add3A_329 = vector.broadcast %add3A_328 : i32 to vector<16xi32>
          %add3A_330 = arith.addi %add3A_329, %mul3A_50 : vector<16xi32>
          %swap3A_331 = arith.constant 0 : index
          %swap3A_332 = tpu.vector_load %arg5[%swap3A_331] {strides = array<i32>} : memref<240xi32, #tpu.memory_space<vmem>>, vector<16xi32>,
          %swap3A_333 = vector.shape_cast %swap3A_332 : vector<16xi32> to vector<16xi32>
          %swap3A_334 = vector.shape_cast %add3A_330 : vector<16xi32> to vector<16xi32>
          tpu.vector_store %arg5[%swap3A_331], %swap3A_334 {strides = array<i32>} : memref<240xi32, #tpu.memory_space<vmem>>, vector<16xi32>,
          %add3A_335 = arith.constant 32 : i32
          %add3A_336 = arith.addi %mul3A_326, %add3A_335 : i32
          %add3A_337 = vector.broadcast %add3A_336 : i32 to vector<16xi32>
          %add3A_338 = arith.addi %add3A_337, %mul3A_50 : vector<16xi32>
          %swap3A_339 = arith.constant 16 : index
          %swap3A_340 = tpu.vector_load %arg5[%swap3A_339] {strides = array<i32>} : memref<240xi32, #tpu.memory_space<vmem>>, vector<16xi32>,
          %swap3A_341 = vector.shape_cast %swap3A_340 : vector<16xi32> to vector<16xi32>
          %swap3A_342 = vector.shape_cast %add3A_338 : vector<16xi32> to vector<16xi32>
          tpu.vector_store %arg5[%swap3A_339], %swap3A_342 {strides = array<i32>} : memref<240xi32, #tpu.memory_space<vmem>>, vector<16xi32>,
          %add3A_343 = arith.constant 64 : i32
          %add3A_344 = arith.addi %mul3A_326, %add3A_343 : i32
          %add3A_345 = vector.broadcast %add3A_344 : i32 to vector<16xi32>
          %add3A_346 = arith.addi %add3A_345, %mul3A_50 : vector<16xi32>
          %swap3A_347 = arith.constant 32 : index
          %swap3A_348 = tpu.vector_load %arg5[%swap3A_347] {strides = array<i32>} : memref<240xi32, #tpu.memory_space<vmem>>, vector<16xi32>,
          %swap3A_349 = vector.shape_cast %swap3A_348 : vector<16xi32> to vector<16xi32>
          %swap3A_350 = vector.shape_cast %add3A_346 : vector<16xi32> to vector<16xi32>
          tpu.vector_store %arg5[%swap3A_347], %swap3A_350 {strides = array<i32>} : memref<240xi32, #tpu.memory_space<vmem>>, vector<16xi32>,
          %add3A_351 = arith.constant 96 : i32
          %add3A_352 = arith.addi %mul3A_326, %add3A_351 : i32
          %add3A_353 = vector.broadcast %add3A_352 : i32 to vector<16xi32>
          %add3A_354 = arith.addi %add3A_353, %mul3A_50 : vector<16xi32>
          %swap3A_355 = arith.constant 48 : index
          %swap3A_356 = tpu.vector_load %arg5[%swap3A_355] {strides = array<i32>} : memref<240xi32, #tpu.memory_space<vmem>>, vector<16xi32>,
          %swap3A_357 = vector.shape_cast %swap3A_356 : vector<16xi32> to vector<16xi32>
          %swap3A_358 = vector.shape_cast %add3A_354 : vector<16xi32> to vector<16xi32>
          tpu.vector_store %arg5[%swap3A_355], %swap3A_358 {strides = array<i32>} : memref<240xi32, #tpu.memory_space<vmem>>, vector<16xi32>,
          %add3A_359 = arith.constant 128 : i32
          %add3A_360 = arith.addi %mul3A_326, %add3A_359 : i32
          %add3A_361 = vector.broadcast %add3A_360 : i32 to vector<16xi32>
          %add3A_362 = arith.addi %add3A_361, %mul3A_50 : vector<16xi32>
          %swap3A_363 = arith.constant 64 : index
          %swap3A_364 = tpu.vector_load %arg5[%swap3A_363] {strides = array<i32>} : memref<240xi32, #tpu.memory_space<vmem>>, vector<16xi32>,
          %swap3A_365 = vector.shape_cast %swap3A_364 : vector<16xi32> to vector<16xi32>
          %swap3A_366 = vector.shape_cast %add3A_362 : vector<16xi32> to vector<16xi32>
          tpu.vector_store %arg5[%swap3A_363], %swap3A_366 {strides = array<i32>} : memref<240xi32, #tpu.memory_space<vmem>>, vector<16xi32>,
          %add3A_367 = arith.constant 160 : i32
          %add3A_368 = arith.addi %mul3A_326, %add3A_367 : i32
          %add3A_369 = vector.broadcast %add3A_368 : i32 to vector<16xi32>
          %add3A_370 = arith.addi %add3A_369, %mul3A_50 : vector<16xi32>
          %swap3A_371 = arith.constant 80 : index
          %swap3A_372 = tpu.vector_load %arg5[%swap3A_371] {strides = array<i32>} : memref<240xi32, #tpu.memory_space<vmem>>, vector<16xi32>,
          %swap3A_373 = vector.shape_cast %swap3A_372 : vector<16xi32> to vector<16xi32>
          %swap3A_374 = vector.shape_cast %add3A_370 : vector<16xi32> to vector<16xi32>
          tpu.vector_store %arg5[%swap3A_371], %swap3A_374 {strides = array<i32>} : memref<240xi32, #tpu.memory_space<vmem>>, vector<16xi32>,
          %add3A_375 = arith.constant 192 : i32
          %add3A_376 = arith.addi %mul3A_326, %add3A_375 : i32
          %add3A_377 = vector.broadcast %add3A_376 : i32 to vector<16xi32>
          %add3A_378 = arith.addi %add3A_377, %mul3A_50 : vector<16xi32>
          %swap3A_379 = arith.constant 96 : index
          %swap3A_380 = tpu.vector_load %arg5[%swap3A_379] {strides = array<i32>} : memref<240xi32, #tpu.memory_space<vmem>>, vector<16xi32>,
          %swap3A_381 = vector.shape_cast %swap3A_380 : vector<16xi32> to vector<16xi32>
          %swap3A_382 = vector.shape_cast %add3A_378 : vector<16xi32> to vector<16xi32>
          tpu.vector_store %arg5[%swap3A_379], %swap3A_382 {strides = array<i32>} : memref<240xi32, #tpu.memory_space<vmem>>, vector<16xi32>,
          %add3A_383 = arith.constant 224 : i32
          %add3A_384 = arith.addi %mul3A_326, %add3A_383 : i32
          %add3A_385 = vector.broadcast %add3A_384 : i32 to vector<16xi32>
          %add3A_386 = arith.addi %add3A_385, %mul3A_50 : vector<16xi32>
          %swap3A_387 = arith.constant 112 : index
          %swap3A_388 = tpu.vector_load %arg5[%swap3A_387] {strides = array<i32>} : memref<240xi32, #tpu.memory_space<vmem>>, vector<16xi32>,
          %swap3A_389 = vector.shape_cast %swap3A_388 : vector<16xi32> to vector<16xi32>
          %swap3A_390 = vector.shape_cast %add3A_386 : vector<16xi32> to vector<16xi32>
          tpu.vector_store %arg5[%swap3A_387], %swap3A_390 {strides = array<i32>} : memref<240xi32, #tpu.memory_space<vmem>>, vector<16xi32>,
          %add3A_391 = arith.constant 256 : i32
          %add3A_392 = arith.addi %mul3A_326, %add3A_391 : i32
          %add3A_393 = vector.broadcast %add3A_392 : i32 to vector<16xi32>
          %add3A_394 = arith.addi %add3A_393, %mul3A_50 : vector<16xi32>
          %swap3A_395 = arith.constant 128 : index
          %swap3A_396 = tpu.vector_load %arg5[%swap3A_395] {strides = array<i32>} : memref<240xi32, #tpu.memory_space<vmem>>, vector<16xi32>,
          %swap3A_397 = vector.shape_cast %swap3A_396 : vector<16xi32> to vector<16xi32>
          %swap3A_398 = vector.shape_cast %add3A_394 : vector<16xi32> to vector<16xi32>
          tpu.vector_store %arg5[%swap3A_395], %swap3A_398 {strides = array<i32>} : memref<240xi32, #tpu.memory_space<vmem>>, vector<16xi32>,
          %add3A_399 = arith.constant 288 : i32
          %add3A_400 = arith.addi %mul3A_326, %add3A_399 : i32
          %add3A_401 = vector.broadcast %add3A_400 : i32 to vector<16xi32>
          %add3A_402 = arith.addi %add3A_401, %mul3A_50 : vector<16xi32>
          %swap3A_403 = arith.constant 144 : index
          %swap3A_404 = tpu.vector_load %arg5[%swap3A_403] {strides = array<i32>} : memref<240xi32, #tpu.memory_space<vmem>>, vector<16xi32>,
          %swap3A_405 = vector.shape_cast %swap3A_404 : vector<16xi32> to vector<16xi32>
          %swap3A_406 = vector.shape_cast %add3A_402 : vector<16xi32> to vector<16xi32>
          tpu.vector_store %arg5[%swap3A_403], %swap3A_406 {strides = array<i32>} : memref<240xi32, #tpu.memory_space<vmem>>, vector<16xi32>,
          %add3A_407 = arith.constant 320 : i32
          %add3A_408 = arith.addi %mul3A_326, %add3A_407 : i32
          %add3A_409 = vector.broadcast %add3A_408 : i32 to vector<16xi32>
          %add3A_410 = arith.addi %add3A_409, %mul3A_50 : vector<16xi32>
          %swap3A_411 = arith.constant 160 : index
          %swap3A_412 = tpu.vector_load %arg5[%swap3A_411] {strides = array<i32>} : memref<240xi32, #tpu.memory_space<vmem>>, vector<16xi32>,
          %swap3A_413 = vector.shape_cast %swap3A_412 : vector<16xi32> to vector<16xi32>
          %swap3A_414 = vector.shape_cast %add3A_410 : vector<16xi32> to vector<16xi32>
          tpu.vector_store %arg5[%swap3A_411], %swap3A_414 {strides = array<i32>} : memref<240xi32, #tpu.memory_space<vmem>>, vector<16xi32>,
          %add3A_415 = arith.constant 352 : i32
          %add3A_416 = arith.addi %mul3A_326, %add3A_415 : i32
          %add3A_417 = vector.broadcast %add3A_416 : i32 to vector<16xi32>
          %add3A_418 = arith.addi %add3A_417, %mul3A_50 : vector<16xi32>
          %swap3A_419 = arith.constant 176 : index
          %swap3A_420 = tpu.vector_load %arg5[%swap3A_419] {strides = array<i32>} : memref<240xi32, #tpu.memory_space<vmem>>, vector<16xi32>,
          %swap3A_421 = vector.shape_cast %swap3A_420 : vector<16xi32> to vector<16xi32>
          %swap3A_422 = vector.shape_cast %add3A_418 : vector<16xi32> to vector<16xi32>
          tpu.vector_store %arg5[%swap3A_419], %swap3A_422 {strides = array<i32>} : memref<240xi32, #tpu.memory_space<vmem>>, vector<16xi32>,
          %add3A_423 = arith.constant 384 : i32
          %add3A_424 = arith.addi %mul3A_326, %add3A_423 : i32
          %add3A_425 = vector.broadcast %add3A_424 : i32 to vector<16xi32>
          %add3A_426 = arith.addi %add3A_425, %mul3A_50 : vector<16xi32>
          %swap3A_427 = arith.constant 192 : index
          %swap3A_428 = tpu.vector_load %arg5[%swap3A_427] {strides = array<i32>} : memref<240xi32, #tpu.memory_space<vmem>>, vector<16xi32>,
          %swap3A_429 = vector.shape_cast %swap3A_428 : vector<16xi32> to vector<16xi32>
          %swap3A_430 = vector.shape_cast %add3A_426 : vector<16xi32> to vector<16xi32>
          tpu.vector_store %arg5[%swap3A_427], %swap3A_430 {strides = array<i32>} : memref<240xi32, #tpu.memory_space<vmem>>, vector<16xi32>,
          %add3A_431 = arith.constant 416 : i32
          %add3A_432 = arith.addi %mul3A_326, %add3A_431 : i32
          %add3A_433 = vector.broadcast %add3A_432 : i32 to vector<16xi32>
          %add3A_434 = arith.addi %add3A_433, %mul3A_50 : vector<16xi32>
          %swap3A_435 = arith.constant 208 : index
          %swap3A_436 = tpu.vector_load %arg5[%swap3A_435] {strides = array<i32>} : memref<240xi32, #tpu.memory_space<vmem>>, vector<16xi32>,
          %swap3A_437 = vector.shape_cast %swap3A_436 : vector<16xi32> to vector<16xi32>
          %swap3A_438 = vector.shape_cast %add3A_434 : vector<16xi32> to vector<16xi32>
          tpu.vector_store %arg5[%swap3A_435], %swap3A_438 {strides = array<i32>} : memref<240xi32, #tpu.memory_space<vmem>>, vector<16xi32>,
          %add3A_439 = arith.constant 448 : i32
          %add3A_440 = arith.addi %mul3A_326, %add3A_439 : i32
          %add3A_441 = vector.broadcast %add3A_440 : i32 to vector<16xi32>
          %add3A_442 = arith.addi %add3A_441, %mul3A_50 : vector<16xi32>
          %swap3A_443 = arith.constant 224 : index
          %swap3A_444 = tpu.vector_load %arg5[%swap3A_443] {strides = array<i32>} : memref<240xi32, #tpu.memory_space<vmem>>, vector<16xi32>,
          %swap3A_445 = vector.shape_cast %swap3A_444 : vector<16xi32> to vector<16xi32>
          %swap3A_446 = vector.shape_cast %add3A_442 : vector<16xi32> to vector<16xi32>
          tpu.vector_store %arg5[%swap3A_443], %swap3A_446 {strides = array<i32>} : memref<240xi32, #tpu.memory_space<vmem>>, vector<16xi32>,
          %dma_start3A_447 = arith.constant 0 : i32
          %dma_start3A_448 = arith.constant 0 : i32
          %dma_start3A_449 = tpu.memref_slice %arg2[%dma_start3A_447, %dma_start3A_448] : memref<500000x128xf32, #tpu.memory_space<hbm>> -> memref<500000x128xf32, #tpu.memory_space<hbm>>
          tpu.enqueue_indirect_dma source(%dma_start3A_449 : memref<500000x128xf32, #tpu.memory_space<hbm>>) target(%arg9 : memref<240x128xf32, #tpu.memory_space<vmem>>) offsets(%arg5 : memref<240xi32, #tpu.memory_space<vmem>>) semaphore(%arg13 : memref<!tpu.dma_semaphore, #tpu.memory_space<semaphore_mem>>)
        } else {
        }
        %dma_wait3A_304 = arith.constant 0 : i32
        %dma_wait3A_305 = arith.constant 0 : i32
        %dma_wait3A_306 = tpu.memref_slice %arg2[%dma_wait3A_304, %dma_wait3A_305] : memref<500000x128xf32, #tpu.memory_space<hbm>> -> memref<500000x128xf32, #tpu.memory_space<hbm>>
        tpu.wait_indirect_dma semaphore(%arg12 : memref<!tpu.dma_semaphore, #tpu.memory_space<semaphore_mem>>) src(%dma_wait3A_306 : memref<500000x128xf32, #tpu.memory_space<hbm>>) dst(%arg8 : memref<240x128xf32, #tpu.memory_space<vmem>>)
        %add3A_307 = arith.addi %select_n3A, %while3A_212 : i32
        %mul3A_308 = arith.constant 240 : i32
        %mul3A_309 = arith.muli %add3A_307, %mul3A_308 : i32
        %dma_start3A_310 = arith.constant 0 : i32
        %dma_start3A_311 = tpu.memref_slice %arg3[%mul3A_309, %dma_start3A_310] : memref<250000x128xf32, #tpu.memory_space<hbm>> -> memref<240x128xf32, #tpu.memory_space<hbm>>
        %dma_start3A_312 = arith.constant 0 : i32
        %dma_start3A_313 = tpu.memref_slice %arg3[%mul3A_309, %dma_start3A_312] : memref<250000x128xf32, #tpu.memory_space<hbm>> -> memref<240x128xf32, #tpu.memory_space<hbm>>
        tpu.enqueue_dma source(%arg8 : memref<240x128xf32, #tpu.memory_space<vmem>>) target(%dma_start3A_313 : memref<240x128xf32, #tpu.memory_space<hbm>>) target_semaphore(%arg16 : memref<!tpu.dma_semaphore, #tpu.memory_space<semaphore_mem>>)
      } else {
      }
      %jit3A_234 = arith.constant 4 : i32
      %eq3A_235 = arith.constant 0 : i32
      %eq3A_236 = arith.cmpi eq, %jit3A_234, %eq3A_235 : i32
      %jit3A_237 = arith.constant 1 : i32
      %select_n3A_238 = arith.select %eq3A_236, %jit3A_237, %jit3A_234 : i32
      %rem3A_239 = arith.remsi %while3A_212, %select_n3A_238 : i32
      %ne3A_240 = arith.constant 0 : i32
      %ne3A_241 = arith.cmpi ne, %rem3A_239, %ne3A_240 : i32
      %lt3A_242 = arith.constant 0 : i32
      %lt3A_243 = arith.cmpi slt, %rem3A_239, %lt3A_242 : i32
      %lt3A_244 = arith.constant 0 : i32
      %lt3A_245 = arith.cmpi slt, %select_n3A_238, %lt3A_244 : i32
      %ne3A_246 = arith.xori %lt3A_243, %lt3A_245 : i1
      %and3A_247 = arith.andi %ne3A_246, %ne3A_241 : i1
      %add3A_248 = arith.addi %rem3A_239, %select_n3A_238 : i32
      %select_n3A_249 = arith.select %and3A_247, %add3A_248, %rem3A_239 : i32
      %eq3A_250 = arith.constant 1 : i32
      %eq3A_251 = arith.cmpi eq, %select_n3A_249, %eq3A_250 : i32
      %convert_element_type3A_252 = arith.extui %eq3A_251 : i1 to i32
      %cond3A_253 = arith.constant 0 : i32
      %cond3A_254 = arith.cmpi ne, %convert_element_type3A_252, %cond3A_253 : i32
      scf.if %cond3A_254 {
        %add3A_298 = arith.constant 1 : i32
        %add3A_299 = arith.addi %while3A_212, %add3A_298 : i32
        %lt3A_300 = arith.cmpi slt, %add3A_299, %sub3A_47 : i32
        %convert_element_type3A_301 = arith.extui %lt3A_300 : i1 to i32
        %cond3A_302 = arith.constant 0 : i32
        %cond3A_303 = arith.cmpi ne, %convert_element_type3A_301, %cond3A_302 : i32
        scf.if %cond3A_303 {
          %add3A_314 = arith.constant 1 : i32
          %add3A_315 = arith.addi %while3A_212, %add3A_314 : i32
          %ge3A = arith.constant 4 : i32
          %ge3A_316 = arith.cmpi sge, %add3A_315, %ge3A : i32
          %convert_element_type3A_317 = arith.extui %ge3A_316 : i1 to i32
          %cond3A_318 = arith.constant 0 : i32
          %cond3A_319 = arith.cmpi ne, %convert_element_type3A_317, %cond3A_318 : i32
          scf.if %cond3A_319 {
            %dma_wait3A_450 = arith.constant 0 : i32
            %dma_wait3A_451 = arith.constant 0 : i32
            %dma_wait3A_452 = tpu.memref_slice %arg3[%dma_wait3A_450, %dma_wait3A_451] : memref<250000x128xf32, #tpu.memory_space<hbm>> -> memref<240x128xf32, #tpu.memory_space<hbm>>
            %dma_wait3A_453 = arith.constant 0 : i32
            %dma_wait3A_454 = arith.constant 0 : i32
            %dma_wait3A_455 = tpu.memref_slice %arg3[%dma_wait3A_453, %dma_wait3A_454] : memref<250000x128xf32, #tpu.memory_space<hbm>> -> memref<240x128xf32, #tpu.memory_space<hbm>>
            tpu.wait_dma2 semaphore(%arg18 : memref<!tpu.dma_semaphore, #tpu.memory_space<semaphore_mem>>) src(%arg10 : memref<240x128xf32, #tpu.memory_space<vmem>>) dst(%dma_wait3A_455 : memref<240x128xf32, #tpu.memory_space<hbm>>)
          } else {
          }
          %add3A_320 = arith.addi %select_n3A, %while3A_212 : i32
          %add3A_321 = arith.constant 1 : i32
          %add3A_322 = arith.addi %add3A_320, %add3A_321 : i32
          %mul3A_323 = arith.constant 240 : i32
          %mul3A_324 = arith.muli %add3A_322, %mul3A_323 : i32
          %mul3A_325 = arith.constant 2 : i32
          %mul3A_326 = arith.muli %mul3A_325, %mul3A_324 : i32
          %add3A_327 = arith.constant 0 : i32
          %add3A_328 = arith.addi %mul3A_326, %add3A_327 : i32
          %add3A_329 = vector.broadcast %add3A_328 : i32 to vector<16xi32>
          %add3A_330 = arith.addi %add3A_329, %mul3A_50 : vector<16xi32>
          %swap3A_331 = arith.constant 0 : index
          %swap3A_332 = tpu.vector_load %arg6[%swap3A_331] {strides = array<i32>} : memref<240xi32, #tpu.memory_space<vmem>>, vector<16xi32>,
          %swap3A_333 = vector.shape_cast %swap3A_332 : vector<16xi32> to vector<16xi32>
          %swap3A_334 = vector.shape_cast %add3A_330 : vector<16xi32> to vector<16xi32>
          tpu.vector_store %arg6[%swap3A_331], %swap3A_334 {strides = array<i32>} : memref<240xi32, #tpu.memory_space<vmem>>, vector<16xi32>,
          %add3A_335 = arith.constant 32 : i32
          %add3A_336 = arith.addi %mul3A_326, %add3A_335 : i32
          %add3A_337 = vector.broadcast %add3A_336 : i32 to vector<16xi32>
          %add3A_338 = arith.addi %add3A_337, %mul3A_50 : vector<16xi32>
          %swap3A_339 = arith.constant 16 : index
          %swap3A_340 = tpu.vector_load %arg6[%swap3A_339] {strides = array<i32>} : memref<240xi32, #tpu.memory_space<vmem>>, vector<16xi32>,
          %swap3A_341 = vector.shape_cast %swap3A_340 : vector<16xi32> to vector<16xi32>
          %swap3A_342 = vector.shape_cast %add3A_338 : vector<16xi32> to vector<16xi32>
          tpu.vector_store %arg6[%swap3A_339], %swap3A_342 {strides = array<i32>} : memref<240xi32, #tpu.memory_space<vmem>>, vector<16xi32>,
          %add3A_343 = arith.constant 64 : i32
          %add3A_344 = arith.addi %mul3A_326, %add3A_343 : i32
          %add3A_345 = vector.broadcast %add3A_344 : i32 to vector<16xi32>
          %add3A_346 = arith.addi %add3A_345, %mul3A_50 : vector<16xi32>
          %swap3A_347 = arith.constant 32 : index
          %swap3A_348 = tpu.vector_load %arg6[%swap3A_347] {strides = array<i32>} : memref<240xi32, #tpu.memory_space<vmem>>, vector<16xi32>,
          %swap3A_349 = vector.shape_cast %swap3A_348 : vector<16xi32> to vector<16xi32>
          %swap3A_350 = vector.shape_cast %add3A_346 : vector<16xi32> to vector<16xi32>
          tpu.vector_store %arg6[%swap3A_347], %swap3A_350 {strides = array<i32>} : memref<240xi32, #tpu.memory_space<vmem>>, vector<16xi32>,
          %add3A_351 = arith.constant 96 : i32
          %add3A_352 = arith.addi %mul3A_326, %add3A_351 : i32
          %add3A_353 = vector.broadcast %add3A_352 : i32 to vector<16xi32>
          %add3A_354 = arith.addi %add3A_353, %mul3A_50 : vector<16xi32>
          %swap3A_355 = arith.constant 48 : index
          %swap3A_356 = tpu.vector_load %arg6[%swap3A_355] {strides = array<i32>} : memref<240xi32, #tpu.memory_space<vmem>>, vector<16xi32>,
          %swap3A_357 = vector.shape_cast %swap3A_356 : vector<16xi32> to vector<16xi32>
          %swap3A_358 = vector.shape_cast %add3A_354 : vector<16xi32> to vector<16xi32>
          tpu.vector_store %arg6[%swap3A_355], %swap3A_358 {strides = array<i32>} : memref<240xi32, #tpu.memory_space<vmem>>, vector<16xi32>,
          %add3A_359 = arith.constant 128 : i32
          %add3A_360 = arith.addi %mul3A_326, %add3A_359 : i32
          %add3A_361 = vector.broadcast %add3A_360 : i32 to vector<16xi32>
          %add3A_362 = arith.addi %add3A_361, %mul3A_50 : vector<16xi32>
          %swap3A_363 = arith.constant 64 : index
          %swap3A_364 = tpu.vector_load %arg6[%swap3A_363] {strides = array<i32>} : memref<240xi32, #tpu.memory_space<vmem>>, vector<16xi32>,
          %swap3A_365 = vector.shape_cast %swap3A_364 : vector<16xi32> to vector<16xi32>
          %swap3A_366 = vector.shape_cast %add3A_362 : vector<16xi32> to vector<16xi32>
          tpu.vector_store %arg6[%swap3A_363], %swap3A_366 {strides = array<i32>} : memref<240xi32, #tpu.memory_space<vmem>>, vector<16xi32>,
          %add3A_367 = arith.constant 160 : i32
          %add3A_368 = arith.addi %mul3A_326, %add3A_367 : i32
          %add3A_369 = vector.broadcast %add3A_368 : i32 to vector<16xi32>
          %add3A_370 = arith.addi %add3A_369, %mul3A_50 : vector<16xi32>
          %swap3A_371 = arith.constant 80 : index
          %swap3A_372 = tpu.vector_load %arg6[%swap3A_371] {strides = array<i32>} : memref<240xi32, #tpu.memory_space<vmem>>, vector<16xi32>,
          %swap3A_373 = vector.shape_cast %swap3A_372 : vector<16xi32> to vector<16xi32>
          %swap3A_374 = vector.shape_cast %add3A_370 : vector<16xi32> to vector<16xi32>
          tpu.vector_store %arg6[%swap3A_371], %swap3A_374 {strides = array<i32>} : memref<240xi32, #tpu.memory_space<vmem>>, vector<16xi32>,
          %add3A_375 = arith.constant 192 : i32
          %add3A_376 = arith.addi %mul3A_326, %add3A_375 : i32
          %add3A_377 = vector.broadcast %add3A_376 : i32 to vector<16xi32>
          %add3A_378 = arith.addi %add3A_377, %mul3A_50 : vector<16xi32>
          %swap3A_379 = arith.constant 96 : index
          %swap3A_380 = tpu.vector_load %arg6[%swap3A_379] {strides = array<i32>} : memref<240xi32, #tpu.memory_space<vmem>>, vector<16xi32>,
          %swap3A_381 = vector.shape_cast %swap3A_380 : vector<16xi32> to vector<16xi32>
          %swap3A_382 = vector.shape_cast %add3A_378 : vector<16xi32> to vector<16xi32>
          tpu.vector_store %arg6[%swap3A_379], %swap3A_382 {strides = array<i32>} : memref<240xi32, #tpu.memory_space<vmem>>, vector<16xi32>,
          %add3A_383 = arith.constant 224 : i32
          %add3A_384 = arith.addi %mul3A_326, %add3A_383 : i32
          %add3A_385 = vector.broadcast %add3A_384 : i32 to vector<16xi32>
          %add3A_386 = arith.addi %add3A_385, %mul3A_50 : vector<16xi32>
          %swap3A_387 = arith.constant 112 : index
          %swap3A_388 = tpu.vector_load %arg6[%swap3A_387] {strides = array<i32>} : memref<240xi32, #tpu.memory_space<vmem>>, vector<16xi32>,
          %swap3A_389 = vector.shape_cast %swap3A_388 : vector<16xi32> to vector<16xi32>
          %swap3A_390 = vector.shape_cast %add3A_386 : vector<16xi32> to vector<16xi32>
          tpu.vector_store %arg6[%swap3A_387], %swap3A_390 {strides = array<i32>} : memref<240xi32, #tpu.memory_space<vmem>>, vector<16xi32>,
          %add3A_391 = arith.constant 256 : i32
          %add3A_392 = arith.addi %mul3A_326, %add3A_391 : i32
          %add3A_393 = vector.broadcast %add3A_392 : i32 to vector<16xi32>
          %add3A_394 = arith.addi %add3A_393, %mul3A_50 : vector<16xi32>
          %swap3A_395 = arith.constant 128 : index
          %swap3A_396 = tpu.vector_load %arg6[%swap3A_395] {strides = array<i32>} : memref<240xi32, #tpu.memory_space<vmem>>, vector<16xi32>,
          %swap3A_397 = vector.shape_cast %swap3A_396 : vector<16xi32> to vector<16xi32>
          %swap3A_398 = vector.shape_cast %add3A_394 : vector<16xi32> to vector<16xi32>
          tpu.vector_store %arg6[%swap3A_395], %swap3A_398 {strides = array<i32>} : memref<240xi32, #tpu.memory_space<vmem>>, vector<16xi32>,
          %add3A_399 = arith.constant 288 : i32
          %add3A_400 = arith.addi %mul3A_326, %add3A_399 : i32
          %add3A_401 = vector.broadcast %add3A_400 : i32 to vector<16xi32>
          %add3A_402 = arith.addi %add3A_401, %mul3A_50 : vector<16xi32>
          %swap3A_403 = arith.constant 144 : index
          %swap3A_404 = tpu.vector_load %arg6[%swap3A_403] {strides = array<i32>} : memref<240xi32, #tpu.memory_space<vmem>>, vector<16xi32>,
          %swap3A_405 = vector.shape_cast %swap3A_404 : vector<16xi32> to vector<16xi32>
          %swap3A_406 = vector.shape_cast %add3A_402 : vector<16xi32> to vector<16xi32>
          tpu.vector_store %arg6[%swap3A_403], %swap3A_406 {strides = array<i32>} : memref<240xi32, #tpu.memory_space<vmem>>, vector<16xi32>,
          %add3A_407 = arith.constant 320 : i32
          %add3A_408 = arith.addi %mul3A_326, %add3A_407 : i32
          %add3A_409 = vector.broadcast %add3A_408 : i32 to vector<16xi32>
          %add3A_410 = arith.addi %add3A_409, %mul3A_50 : vector<16xi32>
          %swap3A_411 = arith.constant 160 : index
          %swap3A_412 = tpu.vector_load %arg6[%swap3A_411] {strides = array<i32>} : memref<240xi32, #tpu.memory_space<vmem>>, vector<16xi32>,
          %swap3A_413 = vector.shape_cast %swap3A_412 : vector<16xi32> to vector<16xi32>
          %swap3A_414 = vector.shape_cast %add3A_410 : vector<16xi32> to vector<16xi32>
          tpu.vector_store %arg6[%swap3A_411], %swap3A_414 {strides = array<i32>} : memref<240xi32, #tpu.memory_space<vmem>>, vector<16xi32>,
          %add3A_415 = arith.constant 352 : i32
          %add3A_416 = arith.addi %mul3A_326, %add3A_415 : i32
          %add3A_417 = vector.broadcast %add3A_416 : i32 to vector<16xi32>
          %add3A_418 = arith.addi %add3A_417, %mul3A_50 : vector<16xi32>
          %swap3A_419 = arith.constant 176 : index
          %swap3A_420 = tpu.vector_load %arg6[%swap3A_419] {strides = array<i32>} : memref<240xi32, #tpu.memory_space<vmem>>, vector<16xi32>,
          %swap3A_421 = vector.shape_cast %swap3A_420 : vector<16xi32> to vector<16xi32>
          %swap3A_422 = vector.shape_cast %add3A_418 : vector<16xi32> to vector<16xi32>
          tpu.vector_store %arg6[%swap3A_419], %swap3A_422 {strides = array<i32>} : memref<240xi32, #tpu.memory_space<vmem>>, vector<16xi32>,
          %add3A_423 = arith.constant 384 : i32
          %add3A_424 = arith.addi %mul3A_326, %add3A_423 : i32
          %add3A_425 = vector.broadcast %add3A_424 : i32 to vector<16xi32>
          %add3A_426 = arith.addi %add3A_425, %mul3A_50 : vector<16xi32>
          %swap3A_427 = arith.constant 192 : index
          %swap3A_428 = tpu.vector_load %arg6[%swap3A_427] {strides = array<i32>} : memref<240xi32, #tpu.memory_space<vmem>>, vector<16xi32>,
          %swap3A_429 = vector.shape_cast %swap3A_428 : vector<16xi32> to vector<16xi32>
          %swap3A_430 = vector.shape_cast %add3A_426 : vector<16xi32> to vector<16xi32>
          tpu.vector_store %arg6[%swap3A_427], %swap3A_430 {strides = array<i32>} : memref<240xi32, #tpu.memory_space<vmem>>, vector<16xi32>,
          %add3A_431 = arith.constant 416 : i32
          %add3A_432 = arith.addi %mul3A_326, %add3A_431 : i32
          %add3A_433 = vector.broadcast %add3A_432 : i32 to vector<16xi32>
          %add3A_434 = arith.addi %add3A_433, %mul3A_50 : vector<16xi32>
          %swap3A_435 = arith.constant 208 : index
          %swap3A_436 = tpu.vector_load %arg6[%swap3A_435] {strides = array<i32>} : memref<240xi32, #tpu.memory_space<vmem>>, vector<16xi32>,
          %swap3A_437 = vector.shape_cast %swap3A_436 : vector<16xi32> to vector<16xi32>
          %swap3A_438 = vector.shape_cast %add3A_434 : vector<16xi32> to vector<16xi32>
          tpu.vector_store %arg6[%swap3A_435], %swap3A_438 {strides = array<i32>} : memref<240xi32, #tpu.memory_space<vmem>>, vector<16xi32>,
          %add3A_439 = arith.constant 448 : i32
          %add3A_440 = arith.addi %mul3A_326, %add3A_439 : i32
          %add3A_441 = vector.broadcast %add3A_440 : i32 to vector<16xi32>
          %add3A_442 = arith.addi %add3A_441, %mul3A_50 : vector<16xi32>
          %swap3A_443 = arith.constant 224 : index
          %swap3A_444 = tpu.vector_load %arg6[%swap3A_443] {strides = array<i32>} : memref<240xi32, #tpu.memory_space<vmem>>, vector<16xi32>,
          %swap3A_445 = vector.shape_cast %swap3A_444 : vector<16xi32> to vector<16xi32>
          %swap3A_446 = vector.shape_cast %add3A_442 : vector<16xi32> to vector<16xi32>
          tpu.vector_store %arg6[%swap3A_443], %swap3A_446 {strides = array<i32>} : memref<240xi32, #tpu.memory_space<vmem>>, vector<16xi32>,
          %dma_start3A_447 = arith.constant 0 : i32
          %dma_start3A_448 = arith.constant 0 : i32
          %dma_start3A_449 = tpu.memref_slice %arg2[%dma_start3A_447, %dma_start3A_448] : memref<500000x128xf32, #tpu.memory_space<hbm>> -> memref<500000x128xf32, #tpu.memory_space<hbm>>
          tpu.enqueue_indirect_dma source(%dma_start3A_449 : memref<500000x128xf32, #tpu.memory_space<hbm>>) target(%arg10 : memref<240x128xf32, #tpu.memory_space<vmem>>) offsets(%arg6 : memref<240xi32, #tpu.memory_space<vmem>>) semaphore(%arg14 : memref<!tpu.dma_semaphore, #tpu.memory_space<semaphore_mem>>)
        } else {
        }
        %dma_wait3A_304 = arith.constant 0 : i32
        %dma_wait3A_305 = arith.constant 0 : i32
        %dma_wait3A_306 = tpu.memref_slice %arg2[%dma_wait3A_304, %dma_wait3A_305] : memref<500000x128xf32, #tpu.memory_space<hbm>> -> memref<500000x128xf32, #tpu.memory_space<hbm>>
        tpu.wait_indirect_dma semaphore(%arg13 : memref<!tpu.dma_semaphore, #tpu.memory_space<semaphore_mem>>) src(%dma_wait3A_306 : memref<500000x128xf32, #tpu.memory_space<hbm>>) dst(%arg9 : memref<240x128xf32, #tpu.memory_space<vmem>>)
        %add3A_307 = arith.addi %select_n3A, %while3A_212 : i32
        %mul3A_308 = arith.constant 240 : i32
        %mul3A_309 = arith.muli %add3A_307, %mul3A_308 : i32
        %dma_start3A_310 = arith.constant 0 : i32
        %dma_start3A_311 = tpu.memref_slice %arg3[%mul3A_309, %dma_start3A_310] : memref<250000x128xf32, #tpu.memory_space<hbm>> -> memref<240x128xf32, #tpu.memory_space<hbm>>
        %dma_start3A_312 = arith.constant 0 : i32
        %dma_start3A_313 = tpu.memref_slice %arg3[%mul3A_309, %dma_start3A_312] : memref<250000x128xf32, #tpu.memory_space<hbm>> -> memref<240x128xf32, #tpu.memory_space<hbm>>
        tpu.enqueue_dma source(%arg9 : memref<240x128xf32, #tpu.memory_space<vmem>>) target(%dma_start3A_313 : memref<240x128xf32, #tpu.memory_space<hbm>>) target_semaphore(%arg17 : memref<!tpu.dma_semaphore, #tpu.memory_space<semaphore_mem>>)
      } else {
      }
      %jit3A_255 = arith.constant 4 : i32
      %eq3A_256 = arith.constant 0 : i32
      %eq3A_257 = arith.cmpi eq, %jit3A_255, %eq3A_256 : i32
      %jit3A_258 = arith.constant 1 : i32
      %select_n3A_259 = arith.select %eq3A_257, %jit3A_258, %jit3A_255 : i32
      %rem3A_260 = arith.remsi %while3A_212, %select_n3A_259 : i32
      %ne3A_261 = arith.constant 0 : i32
      %ne3A_262 = arith.cmpi ne, %rem3A_260, %ne3A_261 : i32
      %lt3A_263 = arith.constant 0 : i32
      %lt3A_264 = arith.cmpi slt, %rem3A_260, %lt3A_263 : i32
      %lt3A_265 = arith.constant 0 : i32
      %lt3A_266 = arith.cmpi slt, %select_n3A_259, %lt3A_265 : i32
      %ne3A_267 = arith.xori %lt3A_264, %lt3A_266 : i1
      %and3A_268 = arith.andi %ne3A_267, %ne3A_262 : i1
      %add3A_269 = arith.addi %rem3A_260, %select_n3A_259 : i32
      %select_n3A_270 = arith.select %and3A_268, %add3A_269, %rem3A_260 : i32
      %eq3A_271 = arith.constant 2 : i32
      %eq3A_272 = arith.cmpi eq, %select_n3A_270, %eq3A_271 : i32
      %convert_element_type3A_273 = arith.extui %eq3A_272 : i1 to i32
      %cond3A_274 = arith.constant 0 : i32
      %cond3A_275 = arith.cmpi ne, %convert_element_type3A_273, %cond3A_274 : i32
      scf.if %cond3A_275 {
        %add3A_298 = arith.constant 1 : i32
        %add3A_299 = arith.addi %while3A_212, %add3A_298 : i32
        %lt3A_300 = arith.cmpi slt, %add3A_299, %sub3A_47 : i32
        %convert_element_type3A_301 = arith.extui %lt3A_300 : i1 to i32
        %cond3A_302 = arith.constant 0 : i32
        %cond3A_303 = arith.cmpi ne, %convert_element_type3A_301, %cond3A_302 : i32
        scf.if %cond3A_303 {
          %add3A_314 = arith.constant 1 : i32
          %add3A_315 = arith.addi %while3A_212, %add3A_314 : i32
          %ge3A = arith.constant 4 : i32
          %ge3A_316 = arith.cmpi sge, %add3A_315, %ge3A : i32
          %convert_element_type3A_317 = arith.extui %ge3A_316 : i1 to i32
          %cond3A_318 = arith.constant 0 : i32
          %cond3A_319 = arith.cmpi ne, %convert_element_type3A_317, %cond3A_318 : i32
          scf.if %cond3A_319 {
            %dma_wait3A_450 = arith.constant 0 : i32
            %dma_wait3A_451 = arith.constant 0 : i32
            %dma_wait3A_452 = tpu.memref_slice %arg3[%dma_wait3A_450, %dma_wait3A_451] : memref<250000x128xf32, #tpu.memory_space<hbm>> -> memref<240x128xf32, #tpu.memory_space<hbm>>
            %dma_wait3A_453 = arith.constant 0 : i32
            %dma_wait3A_454 = arith.constant 0 : i32
            %dma_wait3A_455 = tpu.memref_slice %arg3[%dma_wait3A_453, %dma_wait3A_454] : memref<250000x128xf32, #tpu.memory_space<hbm>> -> memref<240x128xf32, #tpu.memory_space<hbm>>
            tpu.wait_dma2 semaphore(%arg19 : memref<!tpu.dma_semaphore, #tpu.memory_space<semaphore_mem>>) src(%arg11 : memref<240x128xf32, #tpu.memory_space<vmem>>) dst(%dma_wait3A_455 : memref<240x128xf32, #tpu.memory_space<hbm>>)
          } else {
          }
          %add3A_320 = arith.addi %select_n3A, %while3A_212 : i32
          %add3A_321 = arith.constant 1 : i32
          %add3A_322 = arith.addi %add3A_320, %add3A_321 : i32
          %mul3A_323 = arith.constant 240 : i32
          %mul3A_324 = arith.muli %add3A_322, %mul3A_323 : i32
          %mul3A_325 = arith.constant 2 : i32
          %mul3A_326 = arith.muli %mul3A_325, %mul3A_324 : i32
          %add3A_327 = arith.constant 0 : i32
          %add3A_328 = arith.addi %mul3A_326, %add3A_327 : i32
          %add3A_329 = vector.broadcast %add3A_328 : i32 to vector<16xi32>
          %add3A_330 = arith.addi %add3A_329, %mul3A_50 : vector<16xi32>
          %swap3A_331 = arith.constant 0 : index
          %swap3A_332 = tpu.vector_load %arg7[%swap3A_331] {strides = array<i32>} : memref<240xi32, #tpu.memory_space<vmem>>, vector<16xi32>,
          %swap3A_333 = vector.shape_cast %swap3A_332 : vector<16xi32> to vector<16xi32>
          %swap3A_334 = vector.shape_cast %add3A_330 : vector<16xi32> to vector<16xi32>
          tpu.vector_store %arg7[%swap3A_331], %swap3A_334 {strides = array<i32>} : memref<240xi32, #tpu.memory_space<vmem>>, vector<16xi32>,
          %add3A_335 = arith.constant 32 : i32
          %add3A_336 = arith.addi %mul3A_326, %add3A_335 : i32
          %add3A_337 = vector.broadcast %add3A_336 : i32 to vector<16xi32>
          %add3A_338 = arith.addi %add3A_337, %mul3A_50 : vector<16xi32>
          %swap3A_339 = arith.constant 16 : index
          %swap3A_340 = tpu.vector_load %arg7[%swap3A_339] {strides = array<i32>} : memref<240xi32, #tpu.memory_space<vmem>>, vector<16xi32>,
          %swap3A_341 = vector.shape_cast %swap3A_340 : vector<16xi32> to vector<16xi32>
          %swap3A_342 = vector.shape_cast %add3A_338 : vector<16xi32> to vector<16xi32>
          tpu.vector_store %arg7[%swap3A_339], %swap3A_342 {strides = array<i32>} : memref<240xi32, #tpu.memory_space<vmem>>, vector<16xi32>,
          %add3A_343 = arith.constant 64 : i32
          %add3A_344 = arith.addi %mul3A_326, %add3A_343 : i32
          %add3A_345 = vector.broadcast %add3A_344 : i32 to vector<16xi32>
          %add3A_346 = arith.addi %add3A_345, %mul3A_50 : vector<16xi32>
          %swap3A_347 = arith.constant 32 : index
          %swap3A_348 = tpu.vector_load %arg7[%swap3A_347] {strides = array<i32>} : memref<240xi32, #tpu.memory_space<vmem>>, vector<16xi32>,
          %swap3A_349 = vector.shape_cast %swap3A_348 : vector<16xi32> to vector<16xi32>
          %swap3A_350 = vector.shape_cast %add3A_346 : vector<16xi32> to vector<16xi32>
          tpu.vector_store %arg7[%swap3A_347], %swap3A_350 {strides = array<i32>} : memref<240xi32, #tpu.memory_space<vmem>>, vector<16xi32>,
          %add3A_351 = arith.constant 96 : i32
          %add3A_352 = arith.addi %mul3A_326, %add3A_351 : i32
          %add3A_353 = vector.broadcast %add3A_352 : i32 to vector<16xi32>
          %add3A_354 = arith.addi %add3A_353, %mul3A_50 : vector<16xi32>
          %swap3A_355 = arith.constant 48 : index
          %swap3A_356 = tpu.vector_load %arg7[%swap3A_355] {strides = array<i32>} : memref<240xi32, #tpu.memory_space<vmem>>, vector<16xi32>,
          %swap3A_357 = vector.shape_cast %swap3A_356 : vector<16xi32> to vector<16xi32>
          %swap3A_358 = vector.shape_cast %add3A_354 : vector<16xi32> to vector<16xi32>
          tpu.vector_store %arg7[%swap3A_355], %swap3A_358 {strides = array<i32>} : memref<240xi32, #tpu.memory_space<vmem>>, vector<16xi32>,
          %add3A_359 = arith.constant 128 : i32
          %add3A_360 = arith.addi %mul3A_326, %add3A_359 : i32
          %add3A_361 = vector.broadcast %add3A_360 : i32 to vector<16xi32>
          %add3A_362 = arith.addi %add3A_361, %mul3A_50 : vector<16xi32>
          %swap3A_363 = arith.constant 64 : index
          %swap3A_364 = tpu.vector_load %arg7[%swap3A_363] {strides = array<i32>} : memref<240xi32, #tpu.memory_space<vmem>>, vector<16xi32>,
          %swap3A_365 = vector.shape_cast %swap3A_364 : vector<16xi32> to vector<16xi32>
          %swap3A_366 = vector.shape_cast %add3A_362 : vector<16xi32> to vector<16xi32>
          tpu.vector_store %arg7[%swap3A_363], %swap3A_366 {strides = array<i32>} : memref<240xi32, #tpu.memory_space<vmem>>, vector<16xi32>,
          %add3A_367 = arith.constant 160 : i32
          %add3A_368 = arith.addi %mul3A_326, %add3A_367 : i32
          %add3A_369 = vector.broadcast %add3A_368 : i32 to vector<16xi32>
          %add3A_370 = arith.addi %add3A_369, %mul3A_50 : vector<16xi32>
          %swap3A_371 = arith.constant 80 : index
          %swap3A_372 = tpu.vector_load %arg7[%swap3A_371] {strides = array<i32>} : memref<240xi32, #tpu.memory_space<vmem>>, vector<16xi32>,
          %swap3A_373 = vector.shape_cast %swap3A_372 : vector<16xi32> to vector<16xi32>
          %swap3A_374 = vector.shape_cast %add3A_370 : vector<16xi32> to vector<16xi32>
          tpu.vector_store %arg7[%swap3A_371], %swap3A_374 {strides = array<i32>} : memref<240xi32, #tpu.memory_space<vmem>>, vector<16xi32>,
          %add3A_375 = arith.constant 192 : i32
          %add3A_376 = arith.addi %mul3A_326, %add3A_375 : i32
          %add3A_377 = vector.broadcast %add3A_376 : i32 to vector<16xi32>
          %add3A_378 = arith.addi %add3A_377, %mul3A_50 : vector<16xi32>
          %swap3A_379 = arith.constant 96 : index
          %swap3A_380 = tpu.vector_load %arg7[%swap3A_379] {strides = array<i32>} : memref<240xi32, #tpu.memory_space<vmem>>, vector<16xi32>,
          %swap3A_381 = vector.shape_cast %swap3A_380 : vector<16xi32> to vector<16xi32>
          %swap3A_382 = vector.shape_cast %add3A_378 : vector<16xi32> to vector<16xi32>
          tpu.vector_store %arg7[%swap3A_379], %swap3A_382 {strides = array<i32>} : memref<240xi32, #tpu.memory_space<vmem>>, vector<16xi32>,
          %add3A_383 = arith.constant 224 : i32
          %add3A_384 = arith.addi %mul3A_326, %add3A_383 : i32
          %add3A_385 = vector.broadcast %add3A_384 : i32 to vector<16xi32>
          %add3A_386 = arith.addi %add3A_385, %mul3A_50 : vector<16xi32>
          %swap3A_387 = arith.constant 112 : index
          %swap3A_388 = tpu.vector_load %arg7[%swap3A_387] {strides = array<i32>} : memref<240xi32, #tpu.memory_space<vmem>>, vector<16xi32>,
          %swap3A_389 = vector.shape_cast %swap3A_388 : vector<16xi32> to vector<16xi32>
          %swap3A_390 = vector.shape_cast %add3A_386 : vector<16xi32> to vector<16xi32>
          tpu.vector_store %arg7[%swap3A_387], %swap3A_390 {strides = array<i32>} : memref<240xi32, #tpu.memory_space<vmem>>, vector<16xi32>,
          %add3A_391 = arith.constant 256 : i32
          %add3A_392 = arith.addi %mul3A_326, %add3A_391 : i32
          %add3A_393 = vector.broadcast %add3A_392 : i32 to vector<16xi32>
          %add3A_394 = arith.addi %add3A_393, %mul3A_50 : vector<16xi32>
          %swap3A_395 = arith.constant 128 : index
          %swap3A_396 = tpu.vector_load %arg7[%swap3A_395] {strides = array<i32>} : memref<240xi32, #tpu.memory_space<vmem>>, vector<16xi32>,
          %swap3A_397 = vector.shape_cast %swap3A_396 : vector<16xi32> to vector<16xi32>
          %swap3A_398 = vector.shape_cast %add3A_394 : vector<16xi32> to vector<16xi32>
          tpu.vector_store %arg7[%swap3A_395], %swap3A_398 {strides = array<i32>} : memref<240xi32, #tpu.memory_space<vmem>>, vector<16xi32>,
          %add3A_399 = arith.constant 288 : i32
          %add3A_400 = arith.addi %mul3A_326, %add3A_399 : i32
          %add3A_401 = vector.broadcast %add3A_400 : i32 to vector<16xi32>
          %add3A_402 = arith.addi %add3A_401, %mul3A_50 : vector<16xi32>
          %swap3A_403 = arith.constant 144 : index
          %swap3A_404 = tpu.vector_load %arg7[%swap3A_403] {strides = array<i32>} : memref<240xi32, #tpu.memory_space<vmem>>, vector<16xi32>,
          %swap3A_405 = vector.shape_cast %swap3A_404 : vector<16xi32> to vector<16xi32>
          %swap3A_406 = vector.shape_cast %add3A_402 : vector<16xi32> to vector<16xi32>
          tpu.vector_store %arg7[%swap3A_403], %swap3A_406 {strides = array<i32>} : memref<240xi32, #tpu.memory_space<vmem>>, vector<16xi32>,
          %add3A_407 = arith.constant 320 : i32
          %add3A_408 = arith.addi %mul3A_326, %add3A_407 : i32
          %add3A_409 = vector.broadcast %add3A_408 : i32 to vector<16xi32>
          %add3A_410 = arith.addi %add3A_409, %mul3A_50 : vector<16xi32>
          %swap3A_411 = arith.constant 160 : index
          %swap3A_412 = tpu.vector_load %arg7[%swap3A_411] {strides = array<i32>} : memref<240xi32, #tpu.memory_space<vmem>>, vector<16xi32>,
          %swap3A_413 = vector.shape_cast %swap3A_412 : vector<16xi32> to vector<16xi32>
          %swap3A_414 = vector.shape_cast %add3A_410 : vector<16xi32> to vector<16xi32>
          tpu.vector_store %arg7[%swap3A_411], %swap3A_414 {strides = array<i32>} : memref<240xi32, #tpu.memory_space<vmem>>, vector<16xi32>,
          %add3A_415 = arith.constant 352 : i32
          %add3A_416 = arith.addi %mul3A_326, %add3A_415 : i32
          %add3A_417 = vector.broadcast %add3A_416 : i32 to vector<16xi32>
          %add3A_418 = arith.addi %add3A_417, %mul3A_50 : vector<16xi32>
          %swap3A_419 = arith.constant 176 : index
          %swap3A_420 = tpu.vector_load %arg7[%swap3A_419] {strides = array<i32>} : memref<240xi32, #tpu.memory_space<vmem>>, vector<16xi32>,
          %swap3A_421 = vector.shape_cast %swap3A_420 : vector<16xi32> to vector<16xi32>
          %swap3A_422 = vector.shape_cast %add3A_418 : vector<16xi32> to vector<16xi32>
          tpu.vector_store %arg7[%swap3A_419], %swap3A_422 {strides = array<i32>} : memref<240xi32, #tpu.memory_space<vmem>>, vector<16xi32>,
          %add3A_423 = arith.constant 384 : i32
          %add3A_424 = arith.addi %mul3A_326, %add3A_423 : i32
          %add3A_425 = vector.broadcast %add3A_424 : i32 to vector<16xi32>
          %add3A_426 = arith.addi %add3A_425, %mul3A_50 : vector<16xi32>
          %swap3A_427 = arith.constant 192 : index
          %swap3A_428 = tpu.vector_load %arg7[%swap3A_427] {strides = array<i32>} : memref<240xi32, #tpu.memory_space<vmem>>, vector<16xi32>,
          %swap3A_429 = vector.shape_cast %swap3A_428 : vector<16xi32> to vector<16xi32>
          %swap3A_430 = vector.shape_cast %add3A_426 : vector<16xi32> to vector<16xi32>
          tpu.vector_store %arg7[%swap3A_427], %swap3A_430 {strides = array<i32>} : memref<240xi32, #tpu.memory_space<vmem>>, vector<16xi32>,
          %add3A_431 = arith.constant 416 : i32
          %add3A_432 = arith.addi %mul3A_326, %add3A_431 : i32
          %add3A_433 = vector.broadcast %add3A_432 : i32 to vector<16xi32>
          %add3A_434 = arith.addi %add3A_433, %mul3A_50 : vector<16xi32>
          %swap3A_435 = arith.constant 208 : index
          %swap3A_436 = tpu.vector_load %arg7[%swap3A_435] {strides = array<i32>} : memref<240xi32, #tpu.memory_space<vmem>>, vector<16xi32>,
          %swap3A_437 = vector.shape_cast %swap3A_436 : vector<16xi32> to vector<16xi32>
          %swap3A_438 = vector.shape_cast %add3A_434 : vector<16xi32> to vector<16xi32>
          tpu.vector_store %arg7[%swap3A_435], %swap3A_438 {strides = array<i32>} : memref<240xi32, #tpu.memory_space<vmem>>, vector<16xi32>,
          %add3A_439 = arith.constant 448 : i32
          %add3A_440 = arith.addi %mul3A_326, %add3A_439 : i32
          %add3A_441 = vector.broadcast %add3A_440 : i32 to vector<16xi32>
          %add3A_442 = arith.addi %add3A_441, %mul3A_50 : vector<16xi32>
          %swap3A_443 = arith.constant 224 : index
          %swap3A_444 = tpu.vector_load %arg7[%swap3A_443] {strides = array<i32>} : memref<240xi32, #tpu.memory_space<vmem>>, vector<16xi32>,
          %swap3A_445 = vector.shape_cast %swap3A_444 : vector<16xi32> to vector<16xi32>
          %swap3A_446 = vector.shape_cast %add3A_442 : vector<16xi32> to vector<16xi32>
          tpu.vector_store %arg7[%swap3A_443], %swap3A_446 {strides = array<i32>} : memref<240xi32, #tpu.memory_space<vmem>>, vector<16xi32>,
          %dma_start3A_447 = arith.constant 0 : i32
          %dma_start3A_448 = arith.constant 0 : i32
          %dma_start3A_449 = tpu.memref_slice %arg2[%dma_start3A_447, %dma_start3A_448] : memref<500000x128xf32, #tpu.memory_space<hbm>> -> memref<500000x128xf32, #tpu.memory_space<hbm>>
          tpu.enqueue_indirect_dma source(%dma_start3A_449 : memref<500000x128xf32, #tpu.memory_space<hbm>>) target(%arg11 : memref<240x128xf32, #tpu.memory_space<vmem>>) offsets(%arg7 : memref<240xi32, #tpu.memory_space<vmem>>) semaphore(%arg15 : memref<!tpu.dma_semaphore, #tpu.memory_space<semaphore_mem>>)
        } else {
        }
        %dma_wait3A_304 = arith.constant 0 : i32
        %dma_wait3A_305 = arith.constant 0 : i32
        %dma_wait3A_306 = tpu.memref_slice %arg2[%dma_wait3A_304, %dma_wait3A_305] : memref<500000x128xf32, #tpu.memory_space<hbm>> -> memref<500000x128xf32, #tpu.memory_space<hbm>>
        tpu.wait_indirect_dma semaphore(%arg14 : memref<!tpu.dma_semaphore, #tpu.memory_space<semaphore_mem>>) src(%dma_wait3A_306 : memref<500000x128xf32, #tpu.memory_space<hbm>>) dst(%arg10 : memref<240x128xf32, #tpu.memory_space<vmem>>)
        %add3A_307 = arith.addi %select_n3A, %while3A_212 : i32
        %mul3A_308 = arith.constant 240 : i32
        %mul3A_309 = arith.muli %add3A_307, %mul3A_308 : i32
        %dma_start3A_310 = arith.constant 0 : i32
        %dma_start3A_311 = tpu.memref_slice %arg3[%mul3A_309, %dma_start3A_310] : memref<250000x128xf32, #tpu.memory_space<hbm>> -> memref<240x128xf32, #tpu.memory_space<hbm>>
        %dma_start3A_312 = arith.constant 0 : i32
        %dma_start3A_313 = tpu.memref_slice %arg3[%mul3A_309, %dma_start3A_312] : memref<250000x128xf32, #tpu.memory_space<hbm>> -> memref<240x128xf32, #tpu.memory_space<hbm>>
        tpu.enqueue_dma source(%arg10 : memref<240x128xf32, #tpu.memory_space<vmem>>) target(%dma_start3A_313 : memref<240x128xf32, #tpu.memory_space<hbm>>) target_semaphore(%arg18 : memref<!tpu.dma_semaphore, #tpu.memory_space<semaphore_mem>>)
      } else {
      }
      %jit3A_276 = arith.constant 4 : i32
      %eq3A_277 = arith.constant 0 : i32
      %eq3A_278 = arith.cmpi eq, %jit3A_276, %eq3A_277 : i32
      %jit3A_279 = arith.constant 1 : i32
      %select_n3A_280 = arith.select %eq3A_278, %jit3A_279, %jit3A_276 : i32
      %rem3A_281 = arith.remsi %while3A_212, %select_n3A_280 : i32
      %ne3A_282 = arith.constant 0 : i32
      %ne3A_283 = arith.cmpi ne, %rem3A_281, %ne3A_282 : i32
      %lt3A_284 = arith.constant 0 : i32
      %lt3A_285 = arith.cmpi slt, %rem3A_281, %lt3A_284 : i32
      %lt3A_286 = arith.constant 0 : i32
      %lt3A_287 = arith.cmpi slt, %select_n3A_280, %lt3A_286 : i32
      %ne3A_288 = arith.xori %lt3A_285, %lt3A_287 : i1
      %and3A_289 = arith.andi %ne3A_288, %ne3A_283 : i1
      %add3A_290 = arith.addi %rem3A_281, %select_n3A_280 : i32
      %select_n3A_291 = arith.select %and3A_289, %add3A_290, %rem3A_281 : i32
      %eq3A_292 = arith.constant 3 : i32
      %eq3A_293 = arith.cmpi eq, %select_n3A_291, %eq3A_292 : i32
      %convert_element_type3A_294 = arith.extui %eq3A_293 : i1 to i32
      %cond3A_295 = arith.constant 0 : i32
      %cond3A_296 = arith.cmpi ne, %convert_element_type3A_294, %cond3A_295 : i32
      scf.if %cond3A_296 {
        %add3A_298 = arith.constant 1 : i32
        %add3A_299 = arith.addi %while3A_212, %add3A_298 : i32
        %lt3A_300 = arith.cmpi slt, %add3A_299, %sub3A_47 : i32
        %convert_element_type3A_301 = arith.extui %lt3A_300 : i1 to i32
        %cond3A_302 = arith.constant 0 : i32
        %cond3A_303 = arith.cmpi ne, %convert_element_type3A_301, %cond3A_302 : i32
        scf.if %cond3A_303 {
          %add3A_314 = arith.constant 1 : i32
          %add3A_315 = arith.addi %while3A_212, %add3A_314 : i32
          %ge3A = arith.constant 4 : i32
          %ge3A_316 = arith.cmpi sge, %add3A_315, %ge3A : i32
          %convert_element_type3A_317 = arith.extui %ge3A_316 : i1 to i32
          %cond3A_318 = arith.constant 0 : i32
          %cond3A_319 = arith.cmpi ne, %convert_element_type3A_317, %cond3A_318 : i32
          scf.if %cond3A_319 {
            %dma_wait3A_450 = arith.constant 0 : i32
            %dma_wait3A_451 = arith.constant 0 : i32
            %dma_wait3A_452 = tpu.memref_slice %arg3[%dma_wait3A_450, %dma_wait3A_451] : memref<250000x128xf32, #tpu.memory_space<hbm>> -> memref<240x128xf32, #tpu.memory_space<hbm>>
            %dma_wait3A_453 = arith.constant 0 : i32
            %dma_wait3A_454 = arith.constant 0 : i32
            %dma_wait3A_455 = tpu.memref_slice %arg3[%dma_wait3A_453, %dma_wait3A_454] : memref<250000x128xf32, #tpu.memory_space<hbm>> -> memref<240x128xf32, #tpu.memory_space<hbm>>
            tpu.wait_dma2 semaphore(%arg16 : memref<!tpu.dma_semaphore, #tpu.memory_space<semaphore_mem>>) src(%arg8 : memref<240x128xf32, #tpu.memory_space<vmem>>) dst(%dma_wait3A_455 : memref<240x128xf32, #tpu.memory_space<hbm>>)
          } else {
          }
          %add3A_320 = arith.addi %select_n3A, %while3A_212 : i32
          %add3A_321 = arith.constant 1 : i32
          %add3A_322 = arith.addi %add3A_320, %add3A_321 : i32
          %mul3A_323 = arith.constant 240 : i32
          %mul3A_324 = arith.muli %add3A_322, %mul3A_323 : i32
          %mul3A_325 = arith.constant 2 : i32
          %mul3A_326 = arith.muli %mul3A_325, %mul3A_324 : i32
          %add3A_327 = arith.constant 0 : i32
          %add3A_328 = arith.addi %mul3A_326, %add3A_327 : i32
          %add3A_329 = vector.broadcast %add3A_328 : i32 to vector<16xi32>
          %add3A_330 = arith.addi %add3A_329, %mul3A_50 : vector<16xi32>
          %swap3A_331 = arith.constant 0 : index
          %swap3A_332 = tpu.vector_load %arg4[%swap3A_331] {strides = array<i32>} : memref<240xi32, #tpu.memory_space<vmem>>, vector<16xi32>,
          %swap3A_333 = vector.shape_cast %swap3A_332 : vector<16xi32> to vector<16xi32>
          %swap3A_334 = vector.shape_cast %add3A_330 : vector<16xi32> to vector<16xi32>
          tpu.vector_store %arg4[%swap3A_331], %swap3A_334 {strides = array<i32>} : memref<240xi32, #tpu.memory_space<vmem>>, vector<16xi32>,
          %add3A_335 = arith.constant 32 : i32
          %add3A_336 = arith.addi %mul3A_326, %add3A_335 : i32
          %add3A_337 = vector.broadcast %add3A_336 : i32 to vector<16xi32>
          %add3A_338 = arith.addi %add3A_337, %mul3A_50 : vector<16xi32>
          %swap3A_339 = arith.constant 16 : index
          %swap3A_340 = tpu.vector_load %arg4[%swap3A_339] {strides = array<i32>} : memref<240xi32, #tpu.memory_space<vmem>>, vector<16xi32>,
          %swap3A_341 = vector.shape_cast %swap3A_340 : vector<16xi32> to vector<16xi32>
          %swap3A_342 = vector.shape_cast %add3A_338 : vector<16xi32> to vector<16xi32>
          tpu.vector_store %arg4[%swap3A_339], %swap3A_342 {strides = array<i32>} : memref<240xi32, #tpu.memory_space<vmem>>, vector<16xi32>,
          %add3A_343 = arith.constant 64 : i32
          %add3A_344 = arith.addi %mul3A_326, %add3A_343 : i32
          %add3A_345 = vector.broadcast %add3A_344 : i32 to vector<16xi32>
          %add3A_346 = arith.addi %add3A_345, %mul3A_50 : vector<16xi32>
          %swap3A_347 = arith.constant 32 : index
          %swap3A_348 = tpu.vector_load %arg4[%swap3A_347] {strides = array<i32>} : memref<240xi32, #tpu.memory_space<vmem>>, vector<16xi32>,
          %swap3A_349 = vector.shape_cast %swap3A_348 : vector<16xi32> to vector<16xi32>
          %swap3A_350 = vector.shape_cast %add3A_346 : vector<16xi32> to vector<16xi32>
          tpu.vector_store %arg4[%swap3A_347], %swap3A_350 {strides = array<i32>} : memref<240xi32, #tpu.memory_space<vmem>>, vector<16xi32>,
          %add3A_351 = arith.constant 96 : i32
          %add3A_352 = arith.addi %mul3A_326, %add3A_351 : i32
          %add3A_353 = vector.broadcast %add3A_352 : i32 to vector<16xi32>
          %add3A_354 = arith.addi %add3A_353, %mul3A_50 : vector<16xi32>
          %swap3A_355 = arith.constant 48 : index
          %swap3A_356 = tpu.vector_load %arg4[%swap3A_355] {strides = array<i32>} : memref<240xi32, #tpu.memory_space<vmem>>, vector<16xi32>,
          %swap3A_357 = vector.shape_cast %swap3A_356 : vector<16xi32> to vector<16xi32>
          %swap3A_358 = vector.shape_cast %add3A_354 : vector<16xi32> to vector<16xi32>
          tpu.vector_store %arg4[%swap3A_355], %swap3A_358 {strides = array<i32>} : memref<240xi32, #tpu.memory_space<vmem>>, vector<16xi32>,
          %add3A_359 = arith.constant 128 : i32
          %add3A_360 = arith.addi %mul3A_326, %add3A_359 : i32
          %add3A_361 = vector.broadcast %add3A_360 : i32 to vector<16xi32>
          %add3A_362 = arith.addi %add3A_361, %mul3A_50 : vector<16xi32>
          %swap3A_363 = arith.constant 64 : index
          %swap3A_364 = tpu.vector_load %arg4[%swap3A_363] {strides = array<i32>} : memref<240xi32, #tpu.memory_space<vmem>>, vector<16xi32>,
          %swap3A_365 = vector.shape_cast %swap3A_364 : vector<16xi32> to vector<16xi32>
          %swap3A_366 = vector.shape_cast %add3A_362 : vector<16xi32> to vector<16xi32>
          tpu.vector_store %arg4[%swap3A_363], %swap3A_366 {strides = array<i32>} : memref<240xi32, #tpu.memory_space<vmem>>, vector<16xi32>,
          %add3A_367 = arith.constant 160 : i32
          %add3A_368 = arith.addi %mul3A_326, %add3A_367 : i32
          %add3A_369 = vector.broadcast %add3A_368 : i32 to vector<16xi32>
          %add3A_370 = arith.addi %add3A_369, %mul3A_50 : vector<16xi32>
          %swap3A_371 = arith.constant 80 : index
          %swap3A_372 = tpu.vector_load %arg4[%swap3A_371] {strides = array<i32>} : memref<240xi32, #tpu.memory_space<vmem>>, vector<16xi32>,
          %swap3A_373 = vector.shape_cast %swap3A_372 : vector<16xi32> to vector<16xi32>
          %swap3A_374 = vector.shape_cast %add3A_370 : vector<16xi32> to vector<16xi32>
          tpu.vector_store %arg4[%swap3A_371], %swap3A_374 {strides = array<i32>} : memref<240xi32, #tpu.memory_space<vmem>>, vector<16xi32>,
          %add3A_375 = arith.constant 192 : i32
          %add3A_376 = arith.addi %mul3A_326, %add3A_375 : i32
          %add3A_377 = vector.broadcast %add3A_376 : i32 to vector<16xi32>
          %add3A_378 = arith.addi %add3A_377, %mul3A_50 : vector<16xi32>
          %swap3A_379 = arith.constant 96 : index
          %swap3A_380 = tpu.vector_load %arg4[%swap3A_379] {strides = array<i32>} : memref<240xi32, #tpu.memory_space<vmem>>, vector<16xi32>,
          %swap3A_381 = vector.shape_cast %swap3A_380 : vector<16xi32> to vector<16xi32>
          %swap3A_382 = vector.shape_cast %add3A_378 : vector<16xi32> to vector<16xi32>
          tpu.vector_store %arg4[%swap3A_379], %swap3A_382 {strides = array<i32>} : memref<240xi32, #tpu.memory_space<vmem>>, vector<16xi32>,
          %add3A_383 = arith.constant 224 : i32
          %add3A_384 = arith.addi %mul3A_326, %add3A_383 : i32
          %add3A_385 = vector.broadcast %add3A_384 : i32 to vector<16xi32>
          %add3A_386 = arith.addi %add3A_385, %mul3A_50 : vector<16xi32>
          %swap3A_387 = arith.constant 112 : index
          %swap3A_388 = tpu.vector_load %arg4[%swap3A_387] {strides = array<i32>} : memref<240xi32, #tpu.memory_space<vmem>>, vector<16xi32>,
          %swap3A_389 = vector.shape_cast %swap3A_388 : vector<16xi32> to vector<16xi32>
          %swap3A_390 = vector.shape_cast %add3A_386 : vector<16xi32> to vector<16xi32>
          tpu.vector_store %arg4[%swap3A_387], %swap3A_390 {strides = array<i32>} : memref<240xi32, #tpu.memory_space<vmem>>, vector<16xi32>,
          %add3A_391 = arith.constant 256 : i32
          %add3A_392 = arith.addi %mul3A_326, %add3A_391 : i32
          %add3A_393 = vector.broadcast %add3A_392 : i32 to vector<16xi32>
          %add3A_394 = arith.addi %add3A_393, %mul3A_50 : vector<16xi32>
          %swap3A_395 = arith.constant 128 : index
          %swap3A_396 = tpu.vector_load %arg4[%swap3A_395] {strides = array<i32>} : memref<240xi32, #tpu.memory_space<vmem>>, vector<16xi32>,
          %swap3A_397 = vector.shape_cast %swap3A_396 : vector<16xi32> to vector<16xi32>
          %swap3A_398 = vector.shape_cast %add3A_394 : vector<16xi32> to vector<16xi32>
          tpu.vector_store %arg4[%swap3A_395], %swap3A_398 {strides = array<i32>} : memref<240xi32, #tpu.memory_space<vmem>>, vector<16xi32>,
          %add3A_399 = arith.constant 288 : i32
          %add3A_400 = arith.addi %mul3A_326, %add3A_399 : i32
          %add3A_401 = vector.broadcast %add3A_400 : i32 to vector<16xi32>
          %add3A_402 = arith.addi %add3A_401, %mul3A_50 : vector<16xi32>
          %swap3A_403 = arith.constant 144 : index
          %swap3A_404 = tpu.vector_load %arg4[%swap3A_403] {strides = array<i32>} : memref<240xi32, #tpu.memory_space<vmem>>, vector<16xi32>,
          %swap3A_405 = vector.shape_cast %swap3A_404 : vector<16xi32> to vector<16xi32>
          %swap3A_406 = vector.shape_cast %add3A_402 : vector<16xi32> to vector<16xi32>
          tpu.vector_store %arg4[%swap3A_403], %swap3A_406 {strides = array<i32>} : memref<240xi32, #tpu.memory_space<vmem>>, vector<16xi32>,
          %add3A_407 = arith.constant 320 : i32
          %add3A_408 = arith.addi %mul3A_326, %add3A_407 : i32
          %add3A_409 = vector.broadcast %add3A_408 : i32 to vector<16xi32>
          %add3A_410 = arith.addi %add3A_409, %mul3A_50 : vector<16xi32>
          %swap3A_411 = arith.constant 160 : index
          %swap3A_412 = tpu.vector_load %arg4[%swap3A_411] {strides = array<i32>} : memref<240xi32, #tpu.memory_space<vmem>>, vector<16xi32>,
          %swap3A_413 = vector.shape_cast %swap3A_412 : vector<16xi32> to vector<16xi32>
          %swap3A_414 = vector.shape_cast %add3A_410 : vector<16xi32> to vector<16xi32>
          tpu.vector_store %arg4[%swap3A_411], %swap3A_414 {strides = array<i32>} : memref<240xi32, #tpu.memory_space<vmem>>, vector<16xi32>,
          %add3A_415 = arith.constant 352 : i32
          %add3A_416 = arith.addi %mul3A_326, %add3A_415 : i32
          %add3A_417 = vector.broadcast %add3A_416 : i32 to vector<16xi32>
          %add3A_418 = arith.addi %add3A_417, %mul3A_50 : vector<16xi32>
          %swap3A_419 = arith.constant 176 : index
          %swap3A_420 = tpu.vector_load %arg4[%swap3A_419] {strides = array<i32>} : memref<240xi32, #tpu.memory_space<vmem>>, vector<16xi32>,
          %swap3A_421 = vector.shape_cast %swap3A_420 : vector<16xi32> to vector<16xi32>
          %swap3A_422 = vector.shape_cast %add3A_418 : vector<16xi32> to vector<16xi32>
          tpu.vector_store %arg4[%swap3A_419], %swap3A_422 {strides = array<i32>} : memref<240xi32, #tpu.memory_space<vmem>>, vector<16xi32>,
          %add3A_423 = arith.constant 384 : i32
          %add3A_424 = arith.addi %mul3A_326, %add3A_423 : i32
          %add3A_425 = vector.broadcast %add3A_424 : i32 to vector<16xi32>
          %add3A_426 = arith.addi %add3A_425, %mul3A_50 : vector<16xi32>
          %swap3A_427 = arith.constant 192 : index
          %swap3A_428 = tpu.vector_load %arg4[%swap3A_427] {strides = array<i32>} : memref<240xi32, #tpu.memory_space<vmem>>, vector<16xi32>,
          %swap3A_429 = vector.shape_cast %swap3A_428 : vector<16xi32> to vector<16xi32>
          %swap3A_430 = vector.shape_cast %add3A_426 : vector<16xi32> to vector<16xi32>
          tpu.vector_store %arg4[%swap3A_427], %swap3A_430 {strides = array<i32>} : memref<240xi32, #tpu.memory_space<vmem>>, vector<16xi32>,
          %add3A_431 = arith.constant 416 : i32
          %add3A_432 = arith.addi %mul3A_326, %add3A_431 : i32
          %add3A_433 = vector.broadcast %add3A_432 : i32 to vector<16xi32>
          %add3A_434 = arith.addi %add3A_433, %mul3A_50 : vector<16xi32>
          %swap3A_435 = arith.constant 208 : index
          %swap3A_436 = tpu.vector_load %arg4[%swap3A_435] {strides = array<i32>} : memref<240xi32, #tpu.memory_space<vmem>>, vector<16xi32>,
          %swap3A_437 = vector.shape_cast %swap3A_436 : vector<16xi32> to vector<16xi32>
          %swap3A_438 = vector.shape_cast %add3A_434 : vector<16xi32> to vector<16xi32>
          tpu.vector_store %arg4[%swap3A_435], %swap3A_438 {strides = array<i32>} : memref<240xi32, #tpu.memory_space<vmem>>, vector<16xi32>,
          %add3A_439 = arith.constant 448 : i32
          %add3A_440 = arith.addi %mul3A_326, %add3A_439 : i32
          %add3A_441 = vector.broadcast %add3A_440 : i32 to vector<16xi32>
          %add3A_442 = arith.addi %add3A_441, %mul3A_50 : vector<16xi32>
          %swap3A_443 = arith.constant 224 : index
          %swap3A_444 = tpu.vector_load %arg4[%swap3A_443] {strides = array<i32>} : memref<240xi32, #tpu.memory_space<vmem>>, vector<16xi32>,
          %swap3A_445 = vector.shape_cast %swap3A_444 : vector<16xi32> to vector<16xi32>
          %swap3A_446 = vector.shape_cast %add3A_442 : vector<16xi32> to vector<16xi32>
          tpu.vector_store %arg4[%swap3A_443], %swap3A_446 {strides = array<i32>} : memref<240xi32, #tpu.memory_space<vmem>>, vector<16xi32>,
          %dma_start3A_447 = arith.constant 0 : i32
          %dma_start3A_448 = arith.constant 0 : i32
          %dma_start3A_449 = tpu.memref_slice %arg2[%dma_start3A_447, %dma_start3A_448] : memref<500000x128xf32, #tpu.memory_space<hbm>> -> memref<500000x128xf32, #tpu.memory_space<hbm>>
          tpu.enqueue_indirect_dma source(%dma_start3A_449 : memref<500000x128xf32, #tpu.memory_space<hbm>>) target(%arg8 : memref<240x128xf32, #tpu.memory_space<vmem>>) offsets(%arg4 : memref<240xi32, #tpu.memory_space<vmem>>) semaphore(%arg12 : memref<!tpu.dma_semaphore, #tpu.memory_space<semaphore_mem>>)
        } else {
        }
        %dma_wait3A_304 = arith.constant 0 : i32
        %dma_wait3A_305 = arith.constant 0 : i32
        %dma_wait3A_306 = tpu.memref_slice %arg2[%dma_wait3A_304, %dma_wait3A_305] : memref<500000x128xf32, #tpu.memory_space<hbm>> -> memref<500000x128xf32, #tpu.memory_space<hbm>>
        tpu.wait_indirect_dma semaphore(%arg15 : memref<!tpu.dma_semaphore, #tpu.memory_space<semaphore_mem>>) src(%dma_wait3A_306 : memref<500000x128xf32, #tpu.memory_space<hbm>>) dst(%arg11 : memref<240x128xf32, #tpu.memory_space<vmem>>)
        %add3A_307 = arith.addi %select_n3A, %while3A_212 : i32
        %mul3A_308 = arith.constant 240 : i32
        %mul3A_309 = arith.muli %add3A_307, %mul3A_308 : i32
        %dma_start3A_310 = arith.constant 0 : i32
        %dma_start3A_311 = tpu.memref_slice %arg3[%mul3A_309, %dma_start3A_310] : memref<250000x128xf32, #tpu.memory_space<hbm>> -> memref<240x128xf32, #tpu.memory_space<hbm>>
        %dma_start3A_312 = arith.constant 0 : i32
        %dma_start3A_313 = tpu.memref_slice %arg3[%mul3A_309, %dma_start3A_312] : memref<250000x128xf32, #tpu.memory_space<hbm>> -> memref<240x128xf32, #tpu.memory_space<hbm>>
        tpu.enqueue_dma source(%arg11 : memref<240x128xf32, #tpu.memory_space<vmem>>) target(%dma_start3A_313 : memref<240x128xf32, #tpu.memory_space<hbm>>) target_semaphore(%arg19 : memref<!tpu.dma_semaphore, #tpu.memory_space<semaphore_mem>>)
      } else {
      }
      %while3A_297 = arith.constant 0 : i32
      scf.yield %while3A_297 : i32
    }
    %while3A_185 = arith.constant 1 : i32
    %while3A_186 = scf.for %while3A_212 = %while3A_182 to %while3A_178 step %while3A_185 iter_args(%while3A_213 = %while3A_184) -> (i32)  : i32 {
      %jit3A_214 = arith.constant 4 : i32
      %eq3A_215 = arith.constant 0 : i32
      %eq3A_216 = arith.cmpi eq, %jit3A_214, %eq3A_215 : i32
      %jit3A_217 = arith.constant 1 : i32
      %select_n3A_218 = arith.select %eq3A_216, %jit3A_217, %jit3A_214 : i32
      %rem3A_219 = arith.remsi %while3A_212, %select_n3A_218 : i32
      %ne3A_220 = arith.constant 0 : i32
      %ne3A_221 = arith.cmpi ne, %rem3A_219, %ne3A_220 : i32
      %lt3A = arith.constant 0 : i32
      %lt3A_222 = arith.cmpi slt, %rem3A_219, %lt3A : i32
      %lt3A_223 = arith.constant 0 : i32
      %lt3A_224 = arith.cmpi slt, %select_n3A_218, %lt3A_223 : i32
      %ne3A_225 = arith.xori %lt3A_222, %lt3A_224 : i1
      %and3A_226 = arith.andi %ne3A_225, %ne3A_221 : i1
      %add3A_227 = arith.addi %rem3A_219, %select_n3A_218 : i32
      %select_n3A_228 = arith.select %and3A_226, %add3A_227, %rem3A_219 : i32
      %eq3A_229 = arith.constant 0 : i32
      %eq3A_230 = arith.cmpi eq, %select_n3A_228, %eq3A_229 : i32
      %convert_element_type3A_231 = arith.extui %eq3A_230 : i1 to i32
      %cond3A_232 = arith.constant 0 : i32
      %cond3A_233 = arith.cmpi ne, %convert_element_type3A_231, %cond3A_232 : i32
      scf.if %cond3A_233 {
        %add3A_298 = arith.constant 1 : i32
        %add3A_299 = arith.addi %while3A_212, %add3A_298 : i32
        %lt3A_300 = arith.cmpi slt, %add3A_299, %sub3A_47 : i32
        %convert_element_type3A_301 = arith.extui %lt3A_300 : i1 to i32
        %cond3A_302 = arith.constant 0 : i32
        %cond3A_303 = arith.cmpi ne, %convert_element_type3A_301, %cond3A_302 : i32
        scf.if %cond3A_303 {
          %add3A_314 = arith.constant 1 : i32
          %add3A_315 = arith.addi %while3A_212, %add3A_314 : i32
          %ge3A = arith.constant 4 : i32
          %ge3A_316 = arith.cmpi sge, %add3A_315, %ge3A : i32
          %convert_element_type3A_317 = arith.extui %ge3A_316 : i1 to i32
          %cond3A_318 = arith.constant 0 : i32
          %cond3A_319 = arith.cmpi ne, %convert_element_type3A_317, %cond3A_318 : i32
          scf.if %cond3A_319 {
            %dma_wait3A_450 = arith.constant 0 : i32
            %dma_wait3A_451 = arith.constant 0 : i32
            %dma_wait3A_452 = tpu.memref_slice %arg3[%dma_wait3A_450, %dma_wait3A_451] : memref<250000x128xf32, #tpu.memory_space<hbm>> -> memref<240x128xf32, #tpu.memory_space<hbm>>
            %dma_wait3A_453 = arith.constant 0 : i32
            %dma_wait3A_454 = arith.constant 0 : i32
            %dma_wait3A_455 = tpu.memref_slice %arg3[%dma_wait3A_453, %dma_wait3A_454] : memref<250000x128xf32, #tpu.memory_space<hbm>> -> memref<240x128xf32, #tpu.memory_space<hbm>>
            tpu.wait_dma2 semaphore(%arg17 : memref<!tpu.dma_semaphore, #tpu.memory_space<semaphore_mem>>) src(%arg9 : memref<240x128xf32, #tpu.memory_space<vmem>>) dst(%dma_wait3A_455 : memref<240x128xf32, #tpu.memory_space<hbm>>)
          } else {
          }
          %add3A_320 = arith.addi %select_n3A, %while3A_212 : i32
          %add3A_321 = arith.constant 1 : i32
          %add3A_322 = arith.addi %add3A_320, %add3A_321 : i32
          %mul3A_323 = arith.constant 240 : i32
          %mul3A_324 = arith.muli %add3A_322, %mul3A_323 : i32
          %mul3A_325 = arith.constant 2 : i32
          %mul3A_326 = arith.muli %mul3A_325, %mul3A_324 : i32
          %add3A_327 = arith.constant 0 : i32
          %add3A_328 = arith.addi %mul3A_326, %add3A_327 : i32
          %add3A_329 = vector.broadcast %add3A_328 : i32 to vector<16xi32>
          %add3A_330 = arith.addi %add3A_329, %mul3A_50 : vector<16xi32>
          %swap3A_331 = arith.constant 0 : index
          %swap3A_332 = tpu.vector_load %arg5[%swap3A_331] {strides = array<i32>} : memref<240xi32, #tpu.memory_space<vmem>>, vector<16xi32>,
          %swap3A_333 = vector.shape_cast %swap3A_332 : vector<16xi32> to vector<16xi32>
          %swap3A_334 = vector.shape_cast %add3A_330 : vector<16xi32> to vector<16xi32>
          tpu.vector_store %arg5[%swap3A_331], %swap3A_334 {strides = array<i32>} : memref<240xi32, #tpu.memory_space<vmem>>, vector<16xi32>,
          %add3A_335 = arith.constant 32 : i32
          %add3A_336 = arith.addi %mul3A_326, %add3A_335 : i32
          %add3A_337 = vector.broadcast %add3A_336 : i32 to vector<16xi32>
          %add3A_338 = arith.addi %add3A_337, %mul3A_50 : vector<16xi32>
          %swap3A_339 = arith.constant 16 : index
          %swap3A_340 = tpu.vector_load %arg5[%swap3A_339] {strides = array<i32>} : memref<240xi32, #tpu.memory_space<vmem>>, vector<16xi32>,
          %swap3A_341 = vector.shape_cast %swap3A_340 : vector<16xi32> to vector<16xi32>
          %swap3A_342 = vector.shape_cast %add3A_338 : vector<16xi32> to vector<16xi32>
          tpu.vector_store %arg5[%swap3A_339], %swap3A_342 {strides = array<i32>} : memref<240xi32, #tpu.memory_space<vmem>>, vector<16xi32>,
          %add3A_343 = arith.constant 64 : i32
          %add3A_344 = arith.addi %mul3A_326, %add3A_343 : i32
          %add3A_345 = vector.broadcast %add3A_344 : i32 to vector<16xi32>
          %add3A_346 = arith.addi %add3A_345, %mul3A_50 : vector<16xi32>
          %swap3A_347 = arith.constant 32 : index
          %swap3A_348 = tpu.vector_load %arg5[%swap3A_347] {strides = array<i32>} : memref<240xi32, #tpu.memory_space<vmem>>, vector<16xi32>,
          %swap3A_349 = vector.shape_cast %swap3A_348 : vector<16xi32> to vector<16xi32>
          %swap3A_350 = vector.shape_cast %add3A_346 : vector<16xi32> to vector<16xi32>
          tpu.vector_store %arg5[%swap3A_347], %swap3A_350 {strides = array<i32>} : memref<240xi32, #tpu.memory_space<vmem>>, vector<16xi32>,
          %add3A_351 = arith.constant 96 : i32
          %add3A_352 = arith.addi %mul3A_326, %add3A_351 : i32
          %add3A_353 = vector.broadcast %add3A_352 : i32 to vector<16xi32>
          %add3A_354 = arith.addi %add3A_353, %mul3A_50 : vector<16xi32>
          %swap3A_355 = arith.constant 48 : index
          %swap3A_356 = tpu.vector_load %arg5[%swap3A_355] {strides = array<i32>} : memref<240xi32, #tpu.memory_space<vmem>>, vector<16xi32>,
          %swap3A_357 = vector.shape_cast %swap3A_356 : vector<16xi32> to vector<16xi32>
          %swap3A_358 = vector.shape_cast %add3A_354 : vector<16xi32> to vector<16xi32>
          tpu.vector_store %arg5[%swap3A_355], %swap3A_358 {strides = array<i32>} : memref<240xi32, #tpu.memory_space<vmem>>, vector<16xi32>,
          %add3A_359 = arith.constant 128 : i32
          %add3A_360 = arith.addi %mul3A_326, %add3A_359 : i32
          %add3A_361 = vector.broadcast %add3A_360 : i32 to vector<16xi32>
          %add3A_362 = arith.addi %add3A_361, %mul3A_50 : vector<16xi32>
          %swap3A_363 = arith.constant 64 : index
          %swap3A_364 = tpu.vector_load %arg5[%swap3A_363] {strides = array<i32>} : memref<240xi32, #tpu.memory_space<vmem>>, vector<16xi32>,
          %swap3A_365 = vector.shape_cast %swap3A_364 : vector<16xi32> to vector<16xi32>
          %swap3A_366 = vector.shape_cast %add3A_362 : vector<16xi32> to vector<16xi32>
          tpu.vector_store %arg5[%swap3A_363], %swap3A_366 {strides = array<i32>} : memref<240xi32, #tpu.memory_space<vmem>>, vector<16xi32>,
          %add3A_367 = arith.constant 160 : i32
          %add3A_368 = arith.addi %mul3A_326, %add3A_367 : i32
          %add3A_369 = vector.broadcast %add3A_368 : i32 to vector<16xi32>
          %add3A_370 = arith.addi %add3A_369, %mul3A_50 : vector<16xi32>
          %swap3A_371 = arith.constant 80 : index
          %swap3A_372 = tpu.vector_load %arg5[%swap3A_371] {strides = array<i32>} : memref<240xi32, #tpu.memory_space<vmem>>, vector<16xi32>,
          %swap3A_373 = vector.shape_cast %swap3A_372 : vector<16xi32> to vector<16xi32>
          %swap3A_374 = vector.shape_cast %add3A_370 : vector<16xi32> to vector<16xi32>
          tpu.vector_store %arg5[%swap3A_371], %swap3A_374 {strides = array<i32>} : memref<240xi32, #tpu.memory_space<vmem>>, vector<16xi32>,
          %add3A_375 = arith.constant 192 : i32
          %add3A_376 = arith.addi %mul3A_326, %add3A_375 : i32
          %add3A_377 = vector.broadcast %add3A_376 : i32 to vector<16xi32>
          %add3A_378 = arith.addi %add3A_377, %mul3A_50 : vector<16xi32>
          %swap3A_379 = arith.constant 96 : index
          %swap3A_380 = tpu.vector_load %arg5[%swap3A_379] {strides = array<i32>} : memref<240xi32, #tpu.memory_space<vmem>>, vector<16xi32>,
          %swap3A_381 = vector.shape_cast %swap3A_380 : vector<16xi32> to vector<16xi32>
          %swap3A_382 = vector.shape_cast %add3A_378 : vector<16xi32> to vector<16xi32>
          tpu.vector_store %arg5[%swap3A_379], %swap3A_382 {strides = array<i32>} : memref<240xi32, #tpu.memory_space<vmem>>, vector<16xi32>,
          %add3A_383 = arith.constant 224 : i32
          %add3A_384 = arith.addi %mul3A_326, %add3A_383 : i32
          %add3A_385 = vector.broadcast %add3A_384 : i32 to vector<16xi32>
          %add3A_386 = arith.addi %add3A_385, %mul3A_50 : vector<16xi32>
          %swap3A_387 = arith.constant 112 : index
          %swap3A_388 = tpu.vector_load %arg5[%swap3A_387] {strides = array<i32>} : memref<240xi32, #tpu.memory_space<vmem>>, vector<16xi32>,
          %swap3A_389 = vector.shape_cast %swap3A_388 : vector<16xi32> to vector<16xi32>
          %swap3A_390 = vector.shape_cast %add3A_386 : vector<16xi32> to vector<16xi32>
          tpu.vector_store %arg5[%swap3A_387], %swap3A_390 {strides = array<i32>} : memref<240xi32, #tpu.memory_space<vmem>>, vector<16xi32>,
          %add3A_391 = arith.constant 256 : i32
          %add3A_392 = arith.addi %mul3A_326, %add3A_391 : i32
          %add3A_393 = vector.broadcast %add3A_392 : i32 to vector<16xi32>
          %add3A_394 = arith.addi %add3A_393, %mul3A_50 : vector<16xi32>
          %swap3A_395 = arith.constant 128 : index
          %swap3A_396 = tpu.vector_load %arg5[%swap3A_395] {strides = array<i32>} : memref<240xi32, #tpu.memory_space<vmem>>, vector<16xi32>,
          %swap3A_397 = vector.shape_cast %swap3A_396 : vector<16xi32> to vector<16xi32>
          %swap3A_398 = vector.shape_cast %add3A_394 : vector<16xi32> to vector<16xi32>
          tpu.vector_store %arg5[%swap3A_395], %swap3A_398 {strides = array<i32>} : memref<240xi32, #tpu.memory_space<vmem>>, vector<16xi32>,
          %add3A_399 = arith.constant 288 : i32
          %add3A_400 = arith.addi %mul3A_326, %add3A_399 : i32
          %add3A_401 = vector.broadcast %add3A_400 : i32 to vector<16xi32>
          %add3A_402 = arith.addi %add3A_401, %mul3A_50 : vector<16xi32>
          %swap3A_403 = arith.constant 144 : index
          %swap3A_404 = tpu.vector_load %arg5[%swap3A_403] {strides = array<i32>} : memref<240xi32, #tpu.memory_space<vmem>>, vector<16xi32>,
          %swap3A_405 = vector.shape_cast %swap3A_404 : vector<16xi32> to vector<16xi32>
          %swap3A_406 = vector.shape_cast %add3A_402 : vector<16xi32> to vector<16xi32>
          tpu.vector_store %arg5[%swap3A_403], %swap3A_406 {strides = array<i32>} : memref<240xi32, #tpu.memory_space<vmem>>, vector<16xi32>,
          %add3A_407 = arith.constant 320 : i32
          %add3A_408 = arith.addi %mul3A_326, %add3A_407 : i32
          %add3A_409 = vector.broadcast %add3A_408 : i32 to vector<16xi32>
          %add3A_410 = arith.addi %add3A_409, %mul3A_50 : vector<16xi32>
          %swap3A_411 = arith.constant 160 : index
          %swap3A_412 = tpu.vector_load %arg5[%swap3A_411] {strides = array<i32>} : memref<240xi32, #tpu.memory_space<vmem>>, vector<16xi32>,
          %swap3A_413 = vector.shape_cast %swap3A_412 : vector<16xi32> to vector<16xi32>
          %swap3A_414 = vector.shape_cast %add3A_410 : vector<16xi32> to vector<16xi32>
          tpu.vector_store %arg5[%swap3A_411], %swap3A_414 {strides = array<i32>} : memref<240xi32, #tpu.memory_space<vmem>>, vector<16xi32>,
          %add3A_415 = arith.constant 352 : i32
          %add3A_416 = arith.addi %mul3A_326, %add3A_415 : i32
          %add3A_417 = vector.broadcast %add3A_416 : i32 to vector<16xi32>
          %add3A_418 = arith.addi %add3A_417, %mul3A_50 : vector<16xi32>
          %swap3A_419 = arith.constant 176 : index
          %swap3A_420 = tpu.vector_load %arg5[%swap3A_419] {strides = array<i32>} : memref<240xi32, #tpu.memory_space<vmem>>, vector<16xi32>,
          %swap3A_421 = vector.shape_cast %swap3A_420 : vector<16xi32> to vector<16xi32>
          %swap3A_422 = vector.shape_cast %add3A_418 : vector<16xi32> to vector<16xi32>
          tpu.vector_store %arg5[%swap3A_419], %swap3A_422 {strides = array<i32>} : memref<240xi32, #tpu.memory_space<vmem>>, vector<16xi32>,
          %add3A_423 = arith.constant 384 : i32
          %add3A_424 = arith.addi %mul3A_326, %add3A_423 : i32
          %add3A_425 = vector.broadcast %add3A_424 : i32 to vector<16xi32>
          %add3A_426 = arith.addi %add3A_425, %mul3A_50 : vector<16xi32>
          %swap3A_427 = arith.constant 192 : index
          %swap3A_428 = tpu.vector_load %arg5[%swap3A_427] {strides = array<i32>} : memref<240xi32, #tpu.memory_space<vmem>>, vector<16xi32>,
          %swap3A_429 = vector.shape_cast %swap3A_428 : vector<16xi32> to vector<16xi32>
          %swap3A_430 = vector.shape_cast %add3A_426 : vector<16xi32> to vector<16xi32>
          tpu.vector_store %arg5[%swap3A_427], %swap3A_430 {strides = array<i32>} : memref<240xi32, #tpu.memory_space<vmem>>, vector<16xi32>,
          %add3A_431 = arith.constant 416 : i32
          %add3A_432 = arith.addi %mul3A_326, %add3A_431 : i32
          %add3A_433 = vector.broadcast %add3A_432 : i32 to vector<16xi32>
          %add3A_434 = arith.addi %add3A_433, %mul3A_50 : vector<16xi32>
          %swap3A_435 = arith.constant 208 : index
          %swap3A_436 = tpu.vector_load %arg5[%swap3A_435] {strides = array<i32>} : memref<240xi32, #tpu.memory_space<vmem>>, vector<16xi32>,
          %swap3A_437 = vector.shape_cast %swap3A_436 : vector<16xi32> to vector<16xi32>
          %swap3A_438 = vector.shape_cast %add3A_434 : vector<16xi32> to vector<16xi32>
          tpu.vector_store %arg5[%swap3A_435], %swap3A_438 {strides = array<i32>} : memref<240xi32, #tpu.memory_space<vmem>>, vector<16xi32>,
          %add3A_439 = arith.constant 448 : i32
          %add3A_440 = arith.addi %mul3A_326, %add3A_439 : i32
          %add3A_441 = vector.broadcast %add3A_440 : i32 to vector<16xi32>
          %add3A_442 = arith.addi %add3A_441, %mul3A_50 : vector<16xi32>
          %swap3A_443 = arith.constant 224 : index
          %swap3A_444 = tpu.vector_load %arg5[%swap3A_443] {strides = array<i32>} : memref<240xi32, #tpu.memory_space<vmem>>, vector<16xi32>,
          %swap3A_445 = vector.shape_cast %swap3A_444 : vector<16xi32> to vector<16xi32>
          %swap3A_446 = vector.shape_cast %add3A_442 : vector<16xi32> to vector<16xi32>
          tpu.vector_store %arg5[%swap3A_443], %swap3A_446 {strides = array<i32>} : memref<240xi32, #tpu.memory_space<vmem>>, vector<16xi32>,
          %dma_start3A_447 = arith.constant 0 : i32
          %dma_start3A_448 = arith.constant 0 : i32
          %dma_start3A_449 = tpu.memref_slice %arg2[%dma_start3A_447, %dma_start3A_448] : memref<500000x128xf32, #tpu.memory_space<hbm>> -> memref<500000x128xf32, #tpu.memory_space<hbm>>
          tpu.enqueue_indirect_dma source(%dma_start3A_449 : memref<500000x128xf32, #tpu.memory_space<hbm>>) target(%arg9 : memref<240x128xf32, #tpu.memory_space<vmem>>) offsets(%arg5 : memref<240xi32, #tpu.memory_space<vmem>>) semaphore(%arg13 : memref<!tpu.dma_semaphore, #tpu.memory_space<semaphore_mem>>)
        } else {
        }
        %dma_wait3A_304 = arith.constant 0 : i32
        %dma_wait3A_305 = arith.constant 0 : i32
        %dma_wait3A_306 = tpu.memref_slice %arg2[%dma_wait3A_304, %dma_wait3A_305] : memref<500000x128xf32, #tpu.memory_space<hbm>> -> memref<500000x128xf32, #tpu.memory_space<hbm>>
        tpu.wait_indirect_dma semaphore(%arg12 : memref<!tpu.dma_semaphore, #tpu.memory_space<semaphore_mem>>) src(%dma_wait3A_306 : memref<500000x128xf32, #tpu.memory_space<hbm>>) dst(%arg8 : memref<240x128xf32, #tpu.memory_space<vmem>>)
        %add3A_307 = arith.addi %select_n3A, %while3A_212 : i32
        %mul3A_308 = arith.constant 240 : i32
        %mul3A_309 = arith.muli %add3A_307, %mul3A_308 : i32
        %dma_start3A_310 = arith.constant 0 : i32
        %dma_start3A_311 = tpu.memref_slice %arg3[%mul3A_309, %dma_start3A_310] : memref<250000x128xf32, #tpu.memory_space<hbm>> -> memref<240x128xf32, #tpu.memory_space<hbm>>
        %dma_start3A_312 = arith.constant 0 : i32
        %dma_start3A_313 = tpu.memref_slice %arg3[%mul3A_309, %dma_start3A_312] : memref<250000x128xf32, #tpu.memory_space<hbm>> -> memref<240x128xf32, #tpu.memory_space<hbm>>
        tpu.enqueue_dma source(%arg8 : memref<240x128xf32, #tpu.memory_space<vmem>>) target(%dma_start3A_313 : memref<240x128xf32, #tpu.memory_space<hbm>>) target_semaphore(%arg16 : memref<!tpu.dma_semaphore, #tpu.memory_space<semaphore_mem>>)
      } else {
      }
      %jit3A_234 = arith.constant 4 : i32
      %eq3A_235 = arith.constant 0 : i32
      %eq3A_236 = arith.cmpi eq, %jit3A_234, %eq3A_235 : i32
      %jit3A_237 = arith.constant 1 : i32
      %select_n3A_238 = arith.select %eq3A_236, %jit3A_237, %jit3A_234 : i32
      %rem3A_239 = arith.remsi %while3A_212, %select_n3A_238 : i32
      %ne3A_240 = arith.constant 0 : i32
      %ne3A_241 = arith.cmpi ne, %rem3A_239, %ne3A_240 : i32
      %lt3A_242 = arith.constant 0 : i32
      %lt3A_243 = arith.cmpi slt, %rem3A_239, %lt3A_242 : i32
      %lt3A_244 = arith.constant 0 : i32
      %lt3A_245 = arith.cmpi slt, %select_n3A_238, %lt3A_244 : i32
      %ne3A_246 = arith.xori %lt3A_243, %lt3A_245 : i1
      %and3A_247 = arith.andi %ne3A_246, %ne3A_241 : i1
      %add3A_248 = arith.addi %rem3A_239, %select_n3A_238 : i32
      %select_n3A_249 = arith.select %and3A_247, %add3A_248, %rem3A_239 : i32
      %eq3A_250 = arith.constant 1 : i32
      %eq3A_251 = arith.cmpi eq, %select_n3A_249, %eq3A_250 : i32
      %convert_element_type3A_252 = arith.extui %eq3A_251 : i1 to i32
      %cond3A_253 = arith.constant 0 : i32
      %cond3A_254 = arith.cmpi ne, %convert_element_type3A_252, %cond3A_253 : i32
      scf.if %cond3A_254 {
        %add3A_298 = arith.constant 1 : i32
        %add3A_299 = arith.addi %while3A_212, %add3A_298 : i32
        %lt3A_300 = arith.cmpi slt, %add3A_299, %sub3A_47 : i32
        %convert_element_type3A_301 = arith.extui %lt3A_300 : i1 to i32
        %cond3A_302 = arith.constant 0 : i32
        %cond3A_303 = arith.cmpi ne, %convert_element_type3A_301, %cond3A_302 : i32
        scf.if %cond3A_303 {
          %add3A_314 = arith.constant 1 : i32
          %add3A_315 = arith.addi %while3A_212, %add3A_314 : i32
          %ge3A = arith.constant 4 : i32
          %ge3A_316 = arith.cmpi sge, %add3A_315, %ge3A : i32
          %convert_element_type3A_317 = arith.extui %ge3A_316 : i1 to i32
          %cond3A_318 = arith.constant 0 : i32
          %cond3A_319 = arith.cmpi ne, %convert_element_type3A_317, %cond3A_318 : i32
          scf.if %cond3A_319 {
            %dma_wait3A_450 = arith.constant 0 : i32
            %dma_wait3A_451 = arith.constant 0 : i32
            %dma_wait3A_452 = tpu.memref_slice %arg3[%dma_wait3A_450, %dma_wait3A_451] : memref<250000x128xf32, #tpu.memory_space<hbm>> -> memref<240x128xf32, #tpu.memory_space<hbm>>
            %dma_wait3A_453 = arith.constant 0 : i32
            %dma_wait3A_454 = arith.constant 0 : i32
            %dma_wait3A_455 = tpu.memref_slice %arg3[%dma_wait3A_453, %dma_wait3A_454] : memref<250000x128xf32, #tpu.memory_space<hbm>> -> memref<240x128xf32, #tpu.memory_space<hbm>>
            tpu.wait_dma2 semaphore(%arg18 : memref<!tpu.dma_semaphore, #tpu.memory_space<semaphore_mem>>) src(%arg10 : memref<240x128xf32, #tpu.memory_space<vmem>>) dst(%dma_wait3A_455 : memref<240x128xf32, #tpu.memory_space<hbm>>)
          } else {
          }
          %add3A_320 = arith.addi %select_n3A, %while3A_212 : i32
          %add3A_321 = arith.constant 1 : i32
          %add3A_322 = arith.addi %add3A_320, %add3A_321 : i32
          %mul3A_323 = arith.constant 240 : i32
          %mul3A_324 = arith.muli %add3A_322, %mul3A_323 : i32
          %mul3A_325 = arith.constant 2 : i32
          %mul3A_326 = arith.muli %mul3A_325, %mul3A_324 : i32
          %add3A_327 = arith.constant 0 : i32
          %add3A_328 = arith.addi %mul3A_326, %add3A_327 : i32
          %add3A_329 = vector.broadcast %add3A_328 : i32 to vector<16xi32>
          %add3A_330 = arith.addi %add3A_329, %mul3A_50 : vector<16xi32>
          %swap3A_331 = arith.constant 0 : index
          %swap3A_332 = tpu.vector_load %arg6[%swap3A_331] {strides = array<i32>} : memref<240xi32, #tpu.memory_space<vmem>>, vector<16xi32>,
          %swap3A_333 = vector.shape_cast %swap3A_332 : vector<16xi32> to vector<16xi32>
          %swap3A_334 = vector.shape_cast %add3A_330 : vector<16xi32> to vector<16xi32>
          tpu.vector_store %arg6[%swap3A_331], %swap3A_334 {strides = array<i32>} : memref<240xi32, #tpu.memory_space<vmem>>, vector<16xi32>,
          %add3A_335 = arith.constant 32 : i32
          %add3A_336 = arith.addi %mul3A_326, %add3A_335 : i32
          %add3A_337 = vector.broadcast %add3A_336 : i32 to vector<16xi32>
          %add3A_338 = arith.addi %add3A_337, %mul3A_50 : vector<16xi32>
          %swap3A_339 = arith.constant 16 : index
          %swap3A_340 = tpu.vector_load %arg6[%swap3A_339] {strides = array<i32>} : memref<240xi32, #tpu.memory_space<vmem>>, vector<16xi32>,
          %swap3A_341 = vector.shape_cast %swap3A_340 : vector<16xi32> to vector<16xi32>
          %swap3A_342 = vector.shape_cast %add3A_338 : vector<16xi32> to vector<16xi32>
          tpu.vector_store %arg6[%swap3A_339], %swap3A_342 {strides = array<i32>} : memref<240xi32, #tpu.memory_space<vmem>>, vector<16xi32>,
          %add3A_343 = arith.constant 64 : i32
          %add3A_344 = arith.addi %mul3A_326, %add3A_343 : i32
          %add3A_345 = vector.broadcast %add3A_344 : i32 to vector<16xi32>
          %add3A_346 = arith.addi %add3A_345, %mul3A_50 : vector<16xi32>
          %swap3A_347 = arith.constant 32 : index
          %swap3A_348 = tpu.vector_load %arg6[%swap3A_347] {strides = array<i32>} : memref<240xi32, #tpu.memory_space<vmem>>, vector<16xi32>,
          %swap3A_349 = vector.shape_cast %swap3A_348 : vector<16xi32> to vector<16xi32>
          %swap3A_350 = vector.shape_cast %add3A_346 : vector<16xi32> to vector<16xi32>
          tpu.vector_store %arg6[%swap3A_347], %swap3A_350 {strides = array<i32>} : memref<240xi32, #tpu.memory_space<vmem>>, vector<16xi32>,
          %add3A_351 = arith.constant 96 : i32
          %add3A_352 = arith.addi %mul3A_326, %add3A_351 : i32
          %add3A_353 = vector.broadcast %add3A_352 : i32 to vector<16xi32>
          %add3A_354 = arith.addi %add3A_353, %mul3A_50 : vector<16xi32>
          %swap3A_355 = arith.constant 48 : index
          %swap3A_356 = tpu.vector_load %arg6[%swap3A_355] {strides = array<i32>} : memref<240xi32, #tpu.memory_space<vmem>>, vector<16xi32>,
          %swap3A_357 = vector.shape_cast %swap3A_356 : vector<16xi32> to vector<16xi32>
          %swap3A_358 = vector.shape_cast %add3A_354 : vector<16xi32> to vector<16xi32>
          tpu.vector_store %arg6[%swap3A_355], %swap3A_358 {strides = array<i32>} : memref<240xi32, #tpu.memory_space<vmem>>, vector<16xi32>,
          %add3A_359 = arith.constant 128 : i32
          %add3A_360 = arith.addi %mul3A_326, %add3A_359 : i32
          %add3A_361 = vector.broadcast %add3A_360 : i32 to vector<16xi32>
          %add3A_362 = arith.addi %add3A_361, %mul3A_50 : vector<16xi32>
          %swap3A_363 = arith.constant 64 : index
          %swap3A_364 = tpu.vector_load %arg6[%swap3A_363] {strides = array<i32>} : memref<240xi32, #tpu.memory_space<vmem>>, vector<16xi32>,
          %swap3A_365 = vector.shape_cast %swap3A_364 : vector<16xi32> to vector<16xi32>
          %swap3A_366 = vector.shape_cast %add3A_362 : vector<16xi32> to vector<16xi32>
          tpu.vector_store %arg6[%swap3A_363], %swap3A_366 {strides = array<i32>} : memref<240xi32, #tpu.memory_space<vmem>>, vector<16xi32>,
          %add3A_367 = arith.constant 160 : i32
          %add3A_368 = arith.addi %mul3A_326, %add3A_367 : i32
          %add3A_369 = vector.broadcast %add3A_368 : i32 to vector<16xi32>
          %add3A_370 = arith.addi %add3A_369, %mul3A_50 : vector<16xi32>
          %swap3A_371 = arith.constant 80 : index
          %swap3A_372 = tpu.vector_load %arg6[%swap3A_371] {strides = array<i32>} : memref<240xi32, #tpu.memory_space<vmem>>, vector<16xi32>,
          %swap3A_373 = vector.shape_cast %swap3A_372 : vector<16xi32> to vector<16xi32>
          %swap3A_374 = vector.shape_cast %add3A_370 : vector<16xi32> to vector<16xi32>
          tpu.vector_store %arg6[%swap3A_371], %swap3A_374 {strides = array<i32>} : memref<240xi32, #tpu.memory_space<vmem>>, vector<16xi32>,
          %add3A_375 = arith.constant 192 : i32
          %add3A_376 = arith.addi %mul3A_326, %add3A_375 : i32
          %add3A_377 = vector.broadcast %add3A_376 : i32 to vector<16xi32>
          %add3A_378 = arith.addi %add3A_377, %mul3A_50 : vector<16xi32>
          %swap3A_379 = arith.constant 96 : index
          %swap3A_380 = tpu.vector_load %arg6[%swap3A_379] {strides = array<i32>} : memref<240xi32, #tpu.memory_space<vmem>>, vector<16xi32>,
          %swap3A_381 = vector.shape_cast %swap3A_380 : vector<16xi32> to vector<16xi32>
          %swap3A_382 = vector.shape_cast %add3A_378 : vector<16xi32> to vector<16xi32>
          tpu.vector_store %arg6[%swap3A_379], %swap3A_382 {strides = array<i32>} : memref<240xi32, #tpu.memory_space<vmem>>, vector<16xi32>,
          %add3A_383 = arith.constant 224 : i32
          %add3A_384 = arith.addi %mul3A_326, %add3A_383 : i32
          %add3A_385 = vector.broadcast %add3A_384 : i32 to vector<16xi32>
          %add3A_386 = arith.addi %add3A_385, %mul3A_50 : vector<16xi32>
          %swap3A_387 = arith.constant 112 : index
          %swap3A_388 = tpu.vector_load %arg6[%swap3A_387] {strides = array<i32>} : memref<240xi32, #tpu.memory_space<vmem>>, vector<16xi32>,
          %swap3A_389 = vector.shape_cast %swap3A_388 : vector<16xi32> to vector<16xi32>
          %swap3A_390 = vector.shape_cast %add3A_386 : vector<16xi32> to vector<16xi32>
          tpu.vector_store %arg6[%swap3A_387], %swap3A_390 {strides = array<i32>} : memref<240xi32, #tpu.memory_space<vmem>>, vector<16xi32>,
          %add3A_391 = arith.constant 256 : i32
          %add3A_392 = arith.addi %mul3A_326, %add3A_391 : i32
          %add3A_393 = vector.broadcast %add3A_392 : i32 to vector<16xi32>
          %add3A_394 = arith.addi %add3A_393, %mul3A_50 : vector<16xi32>
          %swap3A_395 = arith.constant 128 : index
          %swap3A_396 = tpu.vector_load %arg6[%swap3A_395] {strides = array<i32>} : memref<240xi32, #tpu.memory_space<vmem>>, vector<16xi32>,
          %swap3A_397 = vector.shape_cast %swap3A_396 : vector<16xi32> to vector<16xi32>
          %swap3A_398 = vector.shape_cast %add3A_394 : vector<16xi32> to vector<16xi32>
          tpu.vector_store %arg6[%swap3A_395], %swap3A_398 {strides = array<i32>} : memref<240xi32, #tpu.memory_space<vmem>>, vector<16xi32>,
          %add3A_399 = arith.constant 288 : i32
          %add3A_400 = arith.addi %mul3A_326, %add3A_399 : i32
          %add3A_401 = vector.broadcast %add3A_400 : i32 to vector<16xi32>
          %add3A_402 = arith.addi %add3A_401, %mul3A_50 : vector<16xi32>
          %swap3A_403 = arith.constant 144 : index
          %swap3A_404 = tpu.vector_load %arg6[%swap3A_403] {strides = array<i32>} : memref<240xi32, #tpu.memory_space<vmem>>, vector<16xi32>,
          %swap3A_405 = vector.shape_cast %swap3A_404 : vector<16xi32> to vector<16xi32>
          %swap3A_406 = vector.shape_cast %add3A_402 : vector<16xi32> to vector<16xi32>
          tpu.vector_store %arg6[%swap3A_403], %swap3A_406 {strides = array<i32>} : memref<240xi32, #tpu.memory_space<vmem>>, vector<16xi32>,
          %add3A_407 = arith.constant 320 : i32
          %add3A_408 = arith.addi %mul3A_326, %add3A_407 : i32
          %add3A_409 = vector.broadcast %add3A_408 : i32 to vector<16xi32>
          %add3A_410 = arith.addi %add3A_409, %mul3A_50 : vector<16xi32>
          %swap3A_411 = arith.constant 160 : index
          %swap3A_412 = tpu.vector_load %arg6[%swap3A_411] {strides = array<i32>} : memref<240xi32, #tpu.memory_space<vmem>>, vector<16xi32>,
          %swap3A_413 = vector.shape_cast %swap3A_412 : vector<16xi32> to vector<16xi32>
          %swap3A_414 = vector.shape_cast %add3A_410 : vector<16xi32> to vector<16xi32>
          tpu.vector_store %arg6[%swap3A_411], %swap3A_414 {strides = array<i32>} : memref<240xi32, #tpu.memory_space<vmem>>, vector<16xi32>,
          %add3A_415 = arith.constant 352 : i32
          %add3A_416 = arith.addi %mul3A_326, %add3A_415 : i32
          %add3A_417 = vector.broadcast %add3A_416 : i32 to vector<16xi32>
          %add3A_418 = arith.addi %add3A_417, %mul3A_50 : vector<16xi32>
          %swap3A_419 = arith.constant 176 : index
          %swap3A_420 = tpu.vector_load %arg6[%swap3A_419] {strides = array<i32>} : memref<240xi32, #tpu.memory_space<vmem>>, vector<16xi32>,
          %swap3A_421 = vector.shape_cast %swap3A_420 : vector<16xi32> to vector<16xi32>
          %swap3A_422 = vector.shape_cast %add3A_418 : vector<16xi32> to vector<16xi32>
          tpu.vector_store %arg6[%swap3A_419], %swap3A_422 {strides = array<i32>} : memref<240xi32, #tpu.memory_space<vmem>>, vector<16xi32>,
          %add3A_423 = arith.constant 384 : i32
          %add3A_424 = arith.addi %mul3A_326, %add3A_423 : i32
          %add3A_425 = vector.broadcast %add3A_424 : i32 to vector<16xi32>
          %add3A_426 = arith.addi %add3A_425, %mul3A_50 : vector<16xi32>
          %swap3A_427 = arith.constant 192 : index
          %swap3A_428 = tpu.vector_load %arg6[%swap3A_427] {strides = array<i32>} : memref<240xi32, #tpu.memory_space<vmem>>, vector<16xi32>,
          %swap3A_429 = vector.shape_cast %swap3A_428 : vector<16xi32> to vector<16xi32>
          %swap3A_430 = vector.shape_cast %add3A_426 : vector<16xi32> to vector<16xi32>
          tpu.vector_store %arg6[%swap3A_427], %swap3A_430 {strides = array<i32>} : memref<240xi32, #tpu.memory_space<vmem>>, vector<16xi32>,
          %add3A_431 = arith.constant 416 : i32
          %add3A_432 = arith.addi %mul3A_326, %add3A_431 : i32
          %add3A_433 = vector.broadcast %add3A_432 : i32 to vector<16xi32>
          %add3A_434 = arith.addi %add3A_433, %mul3A_50 : vector<16xi32>
          %swap3A_435 = arith.constant 208 : index
          %swap3A_436 = tpu.vector_load %arg6[%swap3A_435] {strides = array<i32>} : memref<240xi32, #tpu.memory_space<vmem>>, vector<16xi32>,
          %swap3A_437 = vector.shape_cast %swap3A_436 : vector<16xi32> to vector<16xi32>
          %swap3A_438 = vector.shape_cast %add3A_434 : vector<16xi32> to vector<16xi32>
          tpu.vector_store %arg6[%swap3A_435], %swap3A_438 {strides = array<i32>} : memref<240xi32, #tpu.memory_space<vmem>>, vector<16xi32>,
          %add3A_439 = arith.constant 448 : i32
          %add3A_440 = arith.addi %mul3A_326, %add3A_439 : i32
          %add3A_441 = vector.broadcast %add3A_440 : i32 to vector<16xi32>
          %add3A_442 = arith.addi %add3A_441, %mul3A_50 : vector<16xi32>
          %swap3A_443 = arith.constant 224 : index
          %swap3A_444 = tpu.vector_load %arg6[%swap3A_443] {strides = array<i32>} : memref<240xi32, #tpu.memory_space<vmem>>, vector<16xi32>,
          %swap3A_445 = vector.shape_cast %swap3A_444 : vector<16xi32> to vector<16xi32>
          %swap3A_446 = vector.shape_cast %add3A_442 : vector<16xi32> to vector<16xi32>
          tpu.vector_store %arg6[%swap3A_443], %swap3A_446 {strides = array<i32>} : memref<240xi32, #tpu.memory_space<vmem>>, vector<16xi32>,
          %dma_start3A_447 = arith.constant 0 : i32
          %dma_start3A_448 = arith.constant 0 : i32
          %dma_start3A_449 = tpu.memref_slice %arg2[%dma_start3A_447, %dma_start3A_448] : memref<500000x128xf32, #tpu.memory_space<hbm>> -> memref<500000x128xf32, #tpu.memory_space<hbm>>
          tpu.enqueue_indirect_dma source(%dma_start3A_449 : memref<500000x128xf32, #tpu.memory_space<hbm>>) target(%arg10 : memref<240x128xf32, #tpu.memory_space<vmem>>) offsets(%arg6 : memref<240xi32, #tpu.memory_space<vmem>>) semaphore(%arg14 : memref<!tpu.dma_semaphore, #tpu.memory_space<semaphore_mem>>)
        } else {
        }
        %dma_wait3A_304 = arith.constant 0 : i32
        %dma_wait3A_305 = arith.constant 0 : i32
        %dma_wait3A_306 = tpu.memref_slice %arg2[%dma_wait3A_304, %dma_wait3A_305] : memref<500000x128xf32, #tpu.memory_space<hbm>> -> memref<500000x128xf32, #tpu.memory_space<hbm>>
        tpu.wait_indirect_dma semaphore(%arg13 : memref<!tpu.dma_semaphore, #tpu.memory_space<semaphore_mem>>) src(%dma_wait3A_306 : memref<500000x128xf32, #tpu.memory_space<hbm>>) dst(%arg9 : memref<240x128xf32, #tpu.memory_space<vmem>>)
        %add3A_307 = arith.addi %select_n3A, %while3A_212 : i32
        %mul3A_308 = arith.constant 240 : i32
        %mul3A_309 = arith.muli %add3A_307, %mul3A_308 : i32
        %dma_start3A_310 = arith.constant 0 : i32
        %dma_start3A_311 = tpu.memref_slice %arg3[%mul3A_309, %dma_start3A_310] : memref<250000x128xf32, #tpu.memory_space<hbm>> -> memref<240x128xf32, #tpu.memory_space<hbm>>
        %dma_start3A_312 = arith.constant 0 : i32
        %dma_start3A_313 = tpu.memref_slice %arg3[%mul3A_309, %dma_start3A_312] : memref<250000x128xf32, #tpu.memory_space<hbm>> -> memref<240x128xf32, #tpu.memory_space<hbm>>
        tpu.enqueue_dma source(%arg9 : memref<240x128xf32, #tpu.memory_space<vmem>>) target(%dma_start3A_313 : memref<240x128xf32, #tpu.memory_space<hbm>>) target_semaphore(%arg17 : memref<!tpu.dma_semaphore, #tpu.memory_space<semaphore_mem>>)
      } else {
      }
      %jit3A_255 = arith.constant 4 : i32
      %eq3A_256 = arith.constant 0 : i32
      %eq3A_257 = arith.cmpi eq, %jit3A_255, %eq3A_256 : i32
      %jit3A_258 = arith.constant 1 : i32
      %select_n3A_259 = arith.select %eq3A_257, %jit3A_258, %jit3A_255 : i32
      %rem3A_260 = arith.remsi %while3A_212, %select_n3A_259 : i32
      %ne3A_261 = arith.constant 0 : i32
      %ne3A_262 = arith.cmpi ne, %rem3A_260, %ne3A_261 : i32
      %lt3A_263 = arith.constant 0 : i32
      %lt3A_264 = arith.cmpi slt, %rem3A_260, %lt3A_263 : i32
      %lt3A_265 = arith.constant 0 : i32
      %lt3A_266 = arith.cmpi slt, %select_n3A_259, %lt3A_265 : i32
      %ne3A_267 = arith.xori %lt3A_264, %lt3A_266 : i1
      %and3A_268 = arith.andi %ne3A_267, %ne3A_262 : i1
      %add3A_269 = arith.addi %rem3A_260, %select_n3A_259 : i32
      %select_n3A_270 = arith.select %and3A_268, %add3A_269, %rem3A_260 : i32
      %eq3A_271 = arith.constant 2 : i32
      %eq3A_272 = arith.cmpi eq, %select_n3A_270, %eq3A_271 : i32
      %convert_element_type3A_273 = arith.extui %eq3A_272 : i1 to i32
      %cond3A_274 = arith.constant 0 : i32
      %cond3A_275 = arith.cmpi ne, %convert_element_type3A_273, %cond3A_274 : i32
      scf.if %cond3A_275 {
        %add3A_298 = arith.constant 1 : i32
        %add3A_299 = arith.addi %while3A_212, %add3A_298 : i32
        %lt3A_300 = arith.cmpi slt, %add3A_299, %sub3A_47 : i32
        %convert_element_type3A_301 = arith.extui %lt3A_300 : i1 to i32
        %cond3A_302 = arith.constant 0 : i32
        %cond3A_303 = arith.cmpi ne, %convert_element_type3A_301, %cond3A_302 : i32
        scf.if %cond3A_303 {
          %add3A_314 = arith.constant 1 : i32
          %add3A_315 = arith.addi %while3A_212, %add3A_314 : i32
          %ge3A = arith.constant 4 : i32
          %ge3A_316 = arith.cmpi sge, %add3A_315, %ge3A : i32
          %convert_element_type3A_317 = arith.extui %ge3A_316 : i1 to i32
          %cond3A_318 = arith.constant 0 : i32
          %cond3A_319 = arith.cmpi ne, %convert_element_type3A_317, %cond3A_318 : i32
          scf.if %cond3A_319 {
            %dma_wait3A_450 = arith.constant 0 : i32
            %dma_wait3A_451 = arith.constant 0 : i32
            %dma_wait3A_452 = tpu.memref_slice %arg3[%dma_wait3A_450, %dma_wait3A_451] : memref<250000x128xf32, #tpu.memory_space<hbm>> -> memref<240x128xf32, #tpu.memory_space<hbm>>
            %dma_wait3A_453 = arith.constant 0 : i32
            %dma_wait3A_454 = arith.constant 0 : i32
            %dma_wait3A_455 = tpu.memref_slice %arg3[%dma_wait3A_453, %dma_wait3A_454] : memref<250000x128xf32, #tpu.memory_space<hbm>> -> memref<240x128xf32, #tpu.memory_space<hbm>>
            tpu.wait_dma2 semaphore(%arg19 : memref<!tpu.dma_semaphore, #tpu.memory_space<semaphore_mem>>) src(%arg11 : memref<240x128xf32, #tpu.memory_space<vmem>>) dst(%dma_wait3A_455 : memref<240x128xf32, #tpu.memory_space<hbm>>)
          } else {
          }
          %add3A_320 = arith.addi %select_n3A, %while3A_212 : i32
          %add3A_321 = arith.constant 1 : i32
          %add3A_322 = arith.addi %add3A_320, %add3A_321 : i32
          %mul3A_323 = arith.constant 240 : i32
          %mul3A_324 = arith.muli %add3A_322, %mul3A_323 : i32
          %mul3A_325 = arith.constant 2 : i32
          %mul3A_326 = arith.muli %mul3A_325, %mul3A_324 : i32
          %add3A_327 = arith.constant 0 : i32
          %add3A_328 = arith.addi %mul3A_326, %add3A_327 : i32
          %add3A_329 = vector.broadcast %add3A_328 : i32 to vector<16xi32>
          %add3A_330 = arith.addi %add3A_329, %mul3A_50 : vector<16xi32>
          %swap3A_331 = arith.constant 0 : index
          %swap3A_332 = tpu.vector_load %arg7[%swap3A_331] {strides = array<i32>} : memref<240xi32, #tpu.memory_space<vmem>>, vector<16xi32>,
          %swap3A_333 = vector.shape_cast %swap3A_332 : vector<16xi32> to vector<16xi32>
          %swap3A_334 = vector.shape_cast %add3A_330 : vector<16xi32> to vector<16xi32>
          tpu.vector_store %arg7[%swap3A_331], %swap3A_334 {strides = array<i32>} : memref<240xi32, #tpu.memory_space<vmem>>, vector<16xi32>,
          %add3A_335 = arith.constant 32 : i32
          %add3A_336 = arith.addi %mul3A_326, %add3A_335 : i32
          %add3A_337 = vector.broadcast %add3A_336 : i32 to vector<16xi32>
          %add3A_338 = arith.addi %add3A_337, %mul3A_50 : vector<16xi32>
          %swap3A_339 = arith.constant 16 : index
          %swap3A_340 = tpu.vector_load %arg7[%swap3A_339] {strides = array<i32>} : memref<240xi32, #tpu.memory_space<vmem>>, vector<16xi32>,
          %swap3A_341 = vector.shape_cast %swap3A_340 : vector<16xi32> to vector<16xi32>
          %swap3A_342 = vector.shape_cast %add3A_338 : vector<16xi32> to vector<16xi32>
          tpu.vector_store %arg7[%swap3A_339], %swap3A_342 {strides = array<i32>} : memref<240xi32, #tpu.memory_space<vmem>>, vector<16xi32>,
          %add3A_343 = arith.constant 64 : i32
          %add3A_344 = arith.addi %mul3A_326, %add3A_343 : i32
          %add3A_345 = vector.broadcast %add3A_344 : i32 to vector<16xi32>
          %add3A_346 = arith.addi %add3A_345, %mul3A_50 : vector<16xi32>
          %swap3A_347 = arith.constant 32 : index
          %swap3A_348 = tpu.vector_load %arg7[%swap3A_347] {strides = array<i32>} : memref<240xi32, #tpu.memory_space<vmem>>, vector<16xi32>,
          %swap3A_349 = vector.shape_cast %swap3A_348 : vector<16xi32> to vector<16xi32>
          %swap3A_350 = vector.shape_cast %add3A_346 : vector<16xi32> to vector<16xi32>
          tpu.vector_store %arg7[%swap3A_347], %swap3A_350 {strides = array<i32>} : memref<240xi32, #tpu.memory_space<vmem>>, vector<16xi32>,
          %add3A_351 = arith.constant 96 : i32
          %add3A_352 = arith.addi %mul3A_326, %add3A_351 : i32
          %add3A_353 = vector.broadcast %add3A_352 : i32 to vector<16xi32>
          %add3A_354 = arith.addi %add3A_353, %mul3A_50 : vector<16xi32>
          %swap3A_355 = arith.constant 48 : index
          %swap3A_356 = tpu.vector_load %arg7[%swap3A_355] {strides = array<i32>} : memref<240xi32, #tpu.memory_space<vmem>>, vector<16xi32>,
          %swap3A_357 = vector.shape_cast %swap3A_356 : vector<16xi32> to vector<16xi32>
          %swap3A_358 = vector.shape_cast %add3A_354 : vector<16xi32> to vector<16xi32>
          tpu.vector_store %arg7[%swap3A_355], %swap3A_358 {strides = array<i32>} : memref<240xi32, #tpu.memory_space<vmem>>, vector<16xi32>,
          %add3A_359 = arith.constant 128 : i32
          %add3A_360 = arith.addi %mul3A_326, %add3A_359 : i32
          %add3A_361 = vector.broadcast %add3A_360 : i32 to vector<16xi32>
          %add3A_362 = arith.addi %add3A_361, %mul3A_50 : vector<16xi32>
          %swap3A_363 = arith.constant 64 : index
          %swap3A_364 = tpu.vector_load %arg7[%swap3A_363] {strides = array<i32>} : memref<240xi32, #tpu.memory_space<vmem>>, vector<16xi32>,
          %swap3A_365 = vector.shape_cast %swap3A_364 : vector<16xi32> to vector<16xi32>
          %swap3A_366 = vector.shape_cast %add3A_362 : vector<16xi32> to vector<16xi32>
          tpu.vector_store %arg7[%swap3A_363], %swap3A_366 {strides = array<i32>} : memref<240xi32, #tpu.memory_space<vmem>>, vector<16xi32>,
          %add3A_367 = arith.constant 160 : i32
          %add3A_368 = arith.addi %mul3A_326, %add3A_367 : i32
          %add3A_369 = vector.broadcast %add3A_368 : i32 to vector<16xi32>
          %add3A_370 = arith.addi %add3A_369, %mul3A_50 : vector<16xi32>
          %swap3A_371 = arith.constant 80 : index
          %swap3A_372 = tpu.vector_load %arg7[%swap3A_371] {strides = array<i32>} : memref<240xi32, #tpu.memory_space<vmem>>, vector<16xi32>,
          %swap3A_373 = vector.shape_cast %swap3A_372 : vector<16xi32> to vector<16xi32>
          %swap3A_374 = vector.shape_cast %add3A_370 : vector<16xi32> to vector<16xi32>
          tpu.vector_store %arg7[%swap3A_371], %swap3A_374 {strides = array<i32>} : memref<240xi32, #tpu.memory_space<vmem>>, vector<16xi32>,
          %add3A_375 = arith.constant 192 : i32
          %add3A_376 = arith.addi %mul3A_326, %add3A_375 : i32
          %add3A_377 = vector.broadcast %add3A_376 : i32 to vector<16xi32>
          %add3A_378 = arith.addi %add3A_377, %mul3A_50 : vector<16xi32>
          %swap3A_379 = arith.constant 96 : index
          %swap3A_380 = tpu.vector_load %arg7[%swap3A_379] {strides = array<i32>} : memref<240xi32, #tpu.memory_space<vmem>>, vector<16xi32>,
          %swap3A_381 = vector.shape_cast %swap3A_380 : vector<16xi32> to vector<16xi32>
          %swap3A_382 = vector.shape_cast %add3A_378 : vector<16xi32> to vector<16xi32>
          tpu.vector_store %arg7[%swap3A_379], %swap3A_382 {strides = array<i32>} : memref<240xi32, #tpu.memory_space<vmem>>, vector<16xi32>,
          %add3A_383 = arith.constant 224 : i32
          %add3A_384 = arith.addi %mul3A_326, %add3A_383 : i32
          %add3A_385 = vector.broadcast %add3A_384 : i32 to vector<16xi32>
          %add3A_386 = arith.addi %add3A_385, %mul3A_50 : vector<16xi32>
          %swap3A_387 = arith.constant 112 : index
          %swap3A_388 = tpu.vector_load %arg7[%swap3A_387] {strides = array<i32>} : memref<240xi32, #tpu.memory_space<vmem>>, vector<16xi32>,
          %swap3A_389 = vector.shape_cast %swap3A_388 : vector<16xi32> to vector<16xi32>
          %swap3A_390 = vector.shape_cast %add3A_386 : vector<16xi32> to vector<16xi32>
          tpu.vector_store %arg7[%swap3A_387], %swap3A_390 {strides = array<i32>} : memref<240xi32, #tpu.memory_space<vmem>>, vector<16xi32>,
          %add3A_391 = arith.constant 256 : i32
          %add3A_392 = arith.addi %mul3A_326, %add3A_391 : i32
          %add3A_393 = vector.broadcast %add3A_392 : i32 to vector<16xi32>
          %add3A_394 = arith.addi %add3A_393, %mul3A_50 : vector<16xi32>
          %swap3A_395 = arith.constant 128 : index
          %swap3A_396 = tpu.vector_load %arg7[%swap3A_395] {strides = array<i32>} : memref<240xi32, #tpu.memory_space<vmem>>, vector<16xi32>,
          %swap3A_397 = vector.shape_cast %swap3A_396 : vector<16xi32> to vector<16xi32>
          %swap3A_398 = vector.shape_cast %add3A_394 : vector<16xi32> to vector<16xi32>
          tpu.vector_store %arg7[%swap3A_395], %swap3A_398 {strides = array<i32>} : memref<240xi32, #tpu.memory_space<vmem>>, vector<16xi32>,
          %add3A_399 = arith.constant 288 : i32
          %add3A_400 = arith.addi %mul3A_326, %add3A_399 : i32
          %add3A_401 = vector.broadcast %add3A_400 : i32 to vector<16xi32>
          %add3A_402 = arith.addi %add3A_401, %mul3A_50 : vector<16xi32>
          %swap3A_403 = arith.constant 144 : index
          %swap3A_404 = tpu.vector_load %arg7[%swap3A_403] {strides = array<i32>} : memref<240xi32, #tpu.memory_space<vmem>>, vector<16xi32>,
          %swap3A_405 = vector.shape_cast %swap3A_404 : vector<16xi32> to vector<16xi32>
          %swap3A_406 = vector.shape_cast %add3A_402 : vector<16xi32> to vector<16xi32>
          tpu.vector_store %arg7[%swap3A_403], %swap3A_406 {strides = array<i32>} : memref<240xi32, #tpu.memory_space<vmem>>, vector<16xi32>,
          %add3A_407 = arith.constant 320 : i32
          %add3A_408 = arith.addi %mul3A_326, %add3A_407 : i32
          %add3A_409 = vector.broadcast %add3A_408 : i32 to vector<16xi32>
          %add3A_410 = arith.addi %add3A_409, %mul3A_50 : vector<16xi32>
          %swap3A_411 = arith.constant 160 : index
          %swap3A_412 = tpu.vector_load %arg7[%swap3A_411] {strides = array<i32>} : memref<240xi32, #tpu.memory_space<vmem>>, vector<16xi32>,
          %swap3A_413 = vector.shape_cast %swap3A_412 : vector<16xi32> to vector<16xi32>
          %swap3A_414 = vector.shape_cast %add3A_410 : vector<16xi32> to vector<16xi32>
          tpu.vector_store %arg7[%swap3A_411], %swap3A_414 {strides = array<i32>} : memref<240xi32, #tpu.memory_space<vmem>>, vector<16xi32>,
          %add3A_415 = arith.constant 352 : i32
          %add3A_416 = arith.addi %mul3A_326, %add3A_415 : i32
          %add3A_417 = vector.broadcast %add3A_416 : i32 to vector<16xi32>
          %add3A_418 = arith.addi %add3A_417, %mul3A_50 : vector<16xi32>
          %swap3A_419 = arith.constant 176 : index
          %swap3A_420 = tpu.vector_load %arg7[%swap3A_419] {strides = array<i32>} : memref<240xi32, #tpu.memory_space<vmem>>, vector<16xi32>,
          %swap3A_421 = vector.shape_cast %swap3A_420 : vector<16xi32> to vector<16xi32>
          %swap3A_422 = vector.shape_cast %add3A_418 : vector<16xi32> to vector<16xi32>
          tpu.vector_store %arg7[%swap3A_419], %swap3A_422 {strides = array<i32>} : memref<240xi32, #tpu.memory_space<vmem>>, vector<16xi32>,
          %add3A_423 = arith.constant 384 : i32
          %add3A_424 = arith.addi %mul3A_326, %add3A_423 : i32
          %add3A_425 = vector.broadcast %add3A_424 : i32 to vector<16xi32>
          %add3A_426 = arith.addi %add3A_425, %mul3A_50 : vector<16xi32>
          %swap3A_427 = arith.constant 192 : index
          %swap3A_428 = tpu.vector_load %arg7[%swap3A_427] {strides = array<i32>} : memref<240xi32, #tpu.memory_space<vmem>>, vector<16xi32>,
          %swap3A_429 = vector.shape_cast %swap3A_428 : vector<16xi32> to vector<16xi32>
          %swap3A_430 = vector.shape_cast %add3A_426 : vector<16xi32> to vector<16xi32>
          tpu.vector_store %arg7[%swap3A_427], %swap3A_430 {strides = array<i32>} : memref<240xi32, #tpu.memory_space<vmem>>, vector<16xi32>,
          %add3A_431 = arith.constant 416 : i32
          %add3A_432 = arith.addi %mul3A_326, %add3A_431 : i32
          %add3A_433 = vector.broadcast %add3A_432 : i32 to vector<16xi32>
          %add3A_434 = arith.addi %add3A_433, %mul3A_50 : vector<16xi32>
          %swap3A_435 = arith.constant 208 : index
          %swap3A_436 = tpu.vector_load %arg7[%swap3A_435] {strides = array<i32>} : memref<240xi32, #tpu.memory_space<vmem>>, vector<16xi32>,
          %swap3A_437 = vector.shape_cast %swap3A_436 : vector<16xi32> to vector<16xi32>
          %swap3A_438 = vector.shape_cast %add3A_434 : vector<16xi32> to vector<16xi32>
          tpu.vector_store %arg7[%swap3A_435], %swap3A_438 {strides = array<i32>} : memref<240xi32, #tpu.memory_space<vmem>>, vector<16xi32>,
          %add3A_439 = arith.constant 448 : i32
          %add3A_440 = arith.addi %mul3A_326, %add3A_439 : i32
          %add3A_441 = vector.broadcast %add3A_440 : i32 to vector<16xi32>
          %add3A_442 = arith.addi %add3A_441, %mul3A_50 : vector<16xi32>
          %swap3A_443 = arith.constant 224 : index
          %swap3A_444 = tpu.vector_load %arg7[%swap3A_443] {strides = array<i32>} : memref<240xi32, #tpu.memory_space<vmem>>, vector<16xi32>,
          %swap3A_445 = vector.shape_cast %swap3A_444 : vector<16xi32> to vector<16xi32>
          %swap3A_446 = vector.shape_cast %add3A_442 : vector<16xi32> to vector<16xi32>
          tpu.vector_store %arg7[%swap3A_443], %swap3A_446 {strides = array<i32>} : memref<240xi32, #tpu.memory_space<vmem>>, vector<16xi32>,
          %dma_start3A_447 = arith.constant 0 : i32
          %dma_start3A_448 = arith.constant 0 : i32
          %dma_start3A_449 = tpu.memref_slice %arg2[%dma_start3A_447, %dma_start3A_448] : memref<500000x128xf32, #tpu.memory_space<hbm>> -> memref<500000x128xf32, #tpu.memory_space<hbm>>
          tpu.enqueue_indirect_dma source(%dma_start3A_449 : memref<500000x128xf32, #tpu.memory_space<hbm>>) target(%arg11 : memref<240x128xf32, #tpu.memory_space<vmem>>) offsets(%arg7 : memref<240xi32, #tpu.memory_space<vmem>>) semaphore(%arg15 : memref<!tpu.dma_semaphore, #tpu.memory_space<semaphore_mem>>)
        } else {
        }
        %dma_wait3A_304 = arith.constant 0 : i32
        %dma_wait3A_305 = arith.constant 0 : i32
        %dma_wait3A_306 = tpu.memref_slice %arg2[%dma_wait3A_304, %dma_wait3A_305] : memref<500000x128xf32, #tpu.memory_space<hbm>> -> memref<500000x128xf32, #tpu.memory_space<hbm>>
        tpu.wait_indirect_dma semaphore(%arg14 : memref<!tpu.dma_semaphore, #tpu.memory_space<semaphore_mem>>) src(%dma_wait3A_306 : memref<500000x128xf32, #tpu.memory_space<hbm>>) dst(%arg10 : memref<240x128xf32, #tpu.memory_space<vmem>>)
        %add3A_307 = arith.addi %select_n3A, %while3A_212 : i32
        %mul3A_308 = arith.constant 240 : i32
        %mul3A_309 = arith.muli %add3A_307, %mul3A_308 : i32
        %dma_start3A_310 = arith.constant 0 : i32
        %dma_start3A_311 = tpu.memref_slice %arg3[%mul3A_309, %dma_start3A_310] : memref<250000x128xf32, #tpu.memory_space<hbm>> -> memref<240x128xf32, #tpu.memory_space<hbm>>
        %dma_start3A_312 = arith.constant 0 : i32
        %dma_start3A_313 = tpu.memref_slice %arg3[%mul3A_309, %dma_start3A_312] : memref<250000x128xf32, #tpu.memory_space<hbm>> -> memref<240x128xf32, #tpu.memory_space<hbm>>
        tpu.enqueue_dma source(%arg10 : memref<240x128xf32, #tpu.memory_space<vmem>>) target(%dma_start3A_313 : memref<240x128xf32, #tpu.memory_space<hbm>>) target_semaphore(%arg18 : memref<!tpu.dma_semaphore, #tpu.memory_space<semaphore_mem>>)
      } else {
      }
      %jit3A_276 = arith.constant 4 : i32
      %eq3A_277 = arith.constant 0 : i32
      %eq3A_278 = arith.cmpi eq, %jit3A_276, %eq3A_277 : i32
      %jit3A_279 = arith.constant 1 : i32
      %select_n3A_280 = arith.select %eq3A_278, %jit3A_279, %jit3A_276 : i32
      %rem3A_281 = arith.remsi %while3A_212, %select_n3A_280 : i32
      %ne3A_282 = arith.constant 0 : i32
      %ne3A_283 = arith.cmpi ne, %rem3A_281, %ne3A_282 : i32
      %lt3A_284 = arith.constant 0 : i32
      %lt3A_285 = arith.cmpi slt, %rem3A_281, %lt3A_284 : i32
      %lt3A_286 = arith.constant 0 : i32
      %lt3A_287 = arith.cmpi slt, %select_n3A_280, %lt3A_286 : i32
      %ne3A_288 = arith.xori %lt3A_285, %lt3A_287 : i1
      %and3A_289 = arith.andi %ne3A_288, %ne3A_283 : i1
      %add3A_290 = arith.addi %rem3A_281, %select_n3A_280 : i32
      %select_n3A_291 = arith.select %and3A_289, %add3A_290, %rem3A_281 : i32
      %eq3A_292 = arith.constant 3 : i32
      %eq3A_293 = arith.cmpi eq, %select_n3A_291, %eq3A_292 : i32
      %convert_element_type3A_294 = arith.extui %eq3A_293 : i1 to i32
      %cond3A_295 = arith.constant 0 : i32
      %cond3A_296 = arith.cmpi ne, %convert_element_type3A_294, %cond3A_295 : i32
      scf.if %cond3A_296 {
        %add3A_298 = arith.constant 1 : i32
        %add3A_299 = arith.addi %while3A_212, %add3A_298 : i32
        %lt3A_300 = arith.cmpi slt, %add3A_299, %sub3A_47 : i32
        %convert_element_type3A_301 = arith.extui %lt3A_300 : i1 to i32
        %cond3A_302 = arith.constant 0 : i32
        %cond3A_303 = arith.cmpi ne, %convert_element_type3A_301, %cond3A_302 : i32
        scf.if %cond3A_303 {
          %add3A_314 = arith.constant 1 : i32
          %add3A_315 = arith.addi %while3A_212, %add3A_314 : i32
          %ge3A = arith.constant 4 : i32
          %ge3A_316 = arith.cmpi sge, %add3A_315, %ge3A : i32
          %convert_element_type3A_317 = arith.extui %ge3A_316 : i1 to i32
          %cond3A_318 = arith.constant 0 : i32
          %cond3A_319 = arith.cmpi ne, %convert_element_type3A_317, %cond3A_318 : i32
          scf.if %cond3A_319 {
            %dma_wait3A_450 = arith.constant 0 : i32
            %dma_wait3A_451 = arith.constant 0 : i32
            %dma_wait3A_452 = tpu.memref_slice %arg3[%dma_wait3A_450, %dma_wait3A_451] : memref<250000x128xf32, #tpu.memory_space<hbm>> -> memref<240x128xf32, #tpu.memory_space<hbm>>
            %dma_wait3A_453 = arith.constant 0 : i32
            %dma_wait3A_454 = arith.constant 0 : i32
            %dma_wait3A_455 = tpu.memref_slice %arg3[%dma_wait3A_453, %dma_wait3A_454] : memref<250000x128xf32, #tpu.memory_space<hbm>> -> memref<240x128xf32, #tpu.memory_space<hbm>>
            tpu.wait_dma2 semaphore(%arg16 : memref<!tpu.dma_semaphore, #tpu.memory_space<semaphore_mem>>) src(%arg8 : memref<240x128xf32, #tpu.memory_space<vmem>>) dst(%dma_wait3A_455 : memref<240x128xf32, #tpu.memory_space<hbm>>)
          } else {
          }
          %add3A_320 = arith.addi %select_n3A, %while3A_212 : i32
          %add3A_321 = arith.constant 1 : i32
          %add3A_322 = arith.addi %add3A_320, %add3A_321 : i32
          %mul3A_323 = arith.constant 240 : i32
          %mul3A_324 = arith.muli %add3A_322, %mul3A_323 : i32
          %mul3A_325 = arith.constant 2 : i32
          %mul3A_326 = arith.muli %mul3A_325, %mul3A_324 : i32
          %add3A_327 = arith.constant 0 : i32
          %add3A_328 = arith.addi %mul3A_326, %add3A_327 : i32
          %add3A_329 = vector.broadcast %add3A_328 : i32 to vector<16xi32>
          %add3A_330 = arith.addi %add3A_329, %mul3A_50 : vector<16xi32>
          %swap3A_331 = arith.constant 0 : index
          %swap3A_332 = tpu.vector_load %arg4[%swap3A_331] {strides = array<i32>} : memref<240xi32, #tpu.memory_space<vmem>>, vector<16xi32>,
          %swap3A_333 = vector.shape_cast %swap3A_332 : vector<16xi32> to vector<16xi32>
          %swap3A_334 = vector.shape_cast %add3A_330 : vector<16xi32> to vector<16xi32>
          tpu.vector_store %arg4[%swap3A_331], %swap3A_334 {strides = array<i32>} : memref<240xi32, #tpu.memory_space<vmem>>, vector<16xi32>,
          %add3A_335 = arith.constant 32 : i32
          %add3A_336 = arith.addi %mul3A_326, %add3A_335 : i32
          %add3A_337 = vector.broadcast %add3A_336 : i32 to vector<16xi32>
          %add3A_338 = arith.addi %add3A_337, %mul3A_50 : vector<16xi32>
          %swap3A_339 = arith.constant 16 : index
          %swap3A_340 = tpu.vector_load %arg4[%swap3A_339] {strides = array<i32>} : memref<240xi32, #tpu.memory_space<vmem>>, vector<16xi32>,
          %swap3A_341 = vector.shape_cast %swap3A_340 : vector<16xi32> to vector<16xi32>
          %swap3A_342 = vector.shape_cast %add3A_338 : vector<16xi32> to vector<16xi32>
          tpu.vector_store %arg4[%swap3A_339], %swap3A_342 {strides = array<i32>} : memref<240xi32, #tpu.memory_space<vmem>>, vector<16xi32>,
          %add3A_343 = arith.constant 64 : i32
          %add3A_344 = arith.addi %mul3A_326, %add3A_343 : i32
          %add3A_345 = vector.broadcast %add3A_344 : i32 to vector<16xi32>
          %add3A_346 = arith.addi %add3A_345, %mul3A_50 : vector<16xi32>
          %swap3A_347 = arith.constant 32 : index
          %swap3A_348 = tpu.vector_load %arg4[%swap3A_347] {strides = array<i32>} : memref<240xi32, #tpu.memory_space<vmem>>, vector<16xi32>,
          %swap3A_349 = vector.shape_cast %swap3A_348 : vector<16xi32> to vector<16xi32>
          %swap3A_350 = vector.shape_cast %add3A_346 : vector<16xi32> to vector<16xi32>
          tpu.vector_store %arg4[%swap3A_347], %swap3A_350 {strides = array<i32>} : memref<240xi32, #tpu.memory_space<vmem>>, vector<16xi32>,
          %add3A_351 = arith.constant 96 : i32
          %add3A_352 = arith.addi %mul3A_326, %add3A_351 : i32
          %add3A_353 = vector.broadcast %add3A_352 : i32 to vector<16xi32>
          %add3A_354 = arith.addi %add3A_353, %mul3A_50 : vector<16xi32>
          %swap3A_355 = arith.constant 48 : index
          %swap3A_356 = tpu.vector_load %arg4[%swap3A_355] {strides = array<i32>} : memref<240xi32, #tpu.memory_space<vmem>>, vector<16xi32>,
          %swap3A_357 = vector.shape_cast %swap3A_356 : vector<16xi32> to vector<16xi32>
          %swap3A_358 = vector.shape_cast %add3A_354 : vector<16xi32> to vector<16xi32>
          tpu.vector_store %arg4[%swap3A_355], %swap3A_358 {strides = array<i32>} : memref<240xi32, #tpu.memory_space<vmem>>, vector<16xi32>,
          %add3A_359 = arith.constant 128 : i32
          %add3A_360 = arith.addi %mul3A_326, %add3A_359 : i32
          %add3A_361 = vector.broadcast %add3A_360 : i32 to vector<16xi32>
          %add3A_362 = arith.addi %add3A_361, %mul3A_50 : vector<16xi32>
          %swap3A_363 = arith.constant 64 : index
          %swap3A_364 = tpu.vector_load %arg4[%swap3A_363] {strides = array<i32>} : memref<240xi32, #tpu.memory_space<vmem>>, vector<16xi32>,
          %swap3A_365 = vector.shape_cast %swap3A_364 : vector<16xi32> to vector<16xi32>
          %swap3A_366 = vector.shape_cast %add3A_362 : vector<16xi32> to vector<16xi32>
          tpu.vector_store %arg4[%swap3A_363], %swap3A_366 {strides = array<i32>} : memref<240xi32, #tpu.memory_space<vmem>>, vector<16xi32>,
          %add3A_367 = arith.constant 160 : i32
          %add3A_368 = arith.addi %mul3A_326, %add3A_367 : i32
          %add3A_369 = vector.broadcast %add3A_368 : i32 to vector<16xi32>
          %add3A_370 = arith.addi %add3A_369, %mul3A_50 : vector<16xi32>
          %swap3A_371 = arith.constant 80 : index
          %swap3A_372 = tpu.vector_load %arg4[%swap3A_371] {strides = array<i32>} : memref<240xi32, #tpu.memory_space<vmem>>, vector<16xi32>,
          %swap3A_373 = vector.shape_cast %swap3A_372 : vector<16xi32> to vector<16xi32>
          %swap3A_374 = vector.shape_cast %add3A_370 : vector<16xi32> to vector<16xi32>
          tpu.vector_store %arg4[%swap3A_371], %swap3A_374 {strides = array<i32>} : memref<240xi32, #tpu.memory_space<vmem>>, vector<16xi32>,
          %add3A_375 = arith.constant 192 : i32
          %add3A_376 = arith.addi %mul3A_326, %add3A_375 : i32
          %add3A_377 = vector.broadcast %add3A_376 : i32 to vector<16xi32>
          %add3A_378 = arith.addi %add3A_377, %mul3A_50 : vector<16xi32>
          %swap3A_379 = arith.constant 96 : index
          %swap3A_380 = tpu.vector_load %arg4[%swap3A_379] {strides = array<i32>} : memref<240xi32, #tpu.memory_space<vmem>>, vector<16xi32>,
          %swap3A_381 = vector.shape_cast %swap3A_380 : vector<16xi32> to vector<16xi32>
          %swap3A_382 = vector.shape_cast %add3A_378 : vector<16xi32> to vector<16xi32>
          tpu.vector_store %arg4[%swap3A_379], %swap3A_382 {strides = array<i32>} : memref<240xi32, #tpu.memory_space<vmem>>, vector<16xi32>,
          %add3A_383 = arith.constant 224 : i32
          %add3A_384 = arith.addi %mul3A_326, %add3A_383 : i32
          %add3A_385 = vector.broadcast %add3A_384 : i32 to vector<16xi32>
          %add3A_386 = arith.addi %add3A_385, %mul3A_50 : vector<16xi32>
          %swap3A_387 = arith.constant 112 : index
          %swap3A_388 = tpu.vector_load %arg4[%swap3A_387] {strides = array<i32>} : memref<240xi32, #tpu.memory_space<vmem>>, vector<16xi32>,
          %swap3A_389 = vector.shape_cast %swap3A_388 : vector<16xi32> to vector<16xi32>
          %swap3A_390 = vector.shape_cast %add3A_386 : vector<16xi32> to vector<16xi32>
          tpu.vector_store %arg4[%swap3A_387], %swap3A_390 {strides = array<i32>} : memref<240xi32, #tpu.memory_space<vmem>>, vector<16xi32>,
          %add3A_391 = arith.constant 256 : i32
          %add3A_392 = arith.addi %mul3A_326, %add3A_391 : i32
          %add3A_393 = vector.broadcast %add3A_392 : i32 to vector<16xi32>
          %add3A_394 = arith.addi %add3A_393, %mul3A_50 : vector<16xi32>
          %swap3A_395 = arith.constant 128 : index
          %swap3A_396 = tpu.vector_load %arg4[%swap3A_395] {strides = array<i32>} : memref<240xi32, #tpu.memory_space<vmem>>, vector<16xi32>,
          %swap3A_397 = vector.shape_cast %swap3A_396 : vector<16xi32> to vector<16xi32>
          %swap3A_398 = vector.shape_cast %add3A_394 : vector<16xi32> to vector<16xi32>
          tpu.vector_store %arg4[%swap3A_395], %swap3A_398 {strides = array<i32>} : memref<240xi32, #tpu.memory_space<vmem>>, vector<16xi32>,
          %add3A_399 = arith.constant 288 : i32
          %add3A_400 = arith.addi %mul3A_326, %add3A_399 : i32
          %add3A_401 = vector.broadcast %add3A_400 : i32 to vector<16xi32>
          %add3A_402 = arith.addi %add3A_401, %mul3A_50 : vector<16xi32>
          %swap3A_403 = arith.constant 144 : index
          %swap3A_404 = tpu.vector_load %arg4[%swap3A_403] {strides = array<i32>} : memref<240xi32, #tpu.memory_space<vmem>>, vector<16xi32>,
          %swap3A_405 = vector.shape_cast %swap3A_404 : vector<16xi32> to vector<16xi32>
          %swap3A_406 = vector.shape_cast %add3A_402 : vector<16xi32> to vector<16xi32>
          tpu.vector_store %arg4[%swap3A_403], %swap3A_406 {strides = array<i32>} : memref<240xi32, #tpu.memory_space<vmem>>, vector<16xi32>,
          %add3A_407 = arith.constant 320 : i32
          %add3A_408 = arith.addi %mul3A_326, %add3A_407 : i32
          %add3A_409 = vector.broadcast %add3A_408 : i32 to vector<16xi32>
          %add3A_410 = arith.addi %add3A_409, %mul3A_50 : vector<16xi32>
          %swap3A_411 = arith.constant 160 : index
          %swap3A_412 = tpu.vector_load %arg4[%swap3A_411] {strides = array<i32>} : memref<240xi32, #tpu.memory_space<vmem>>, vector<16xi32>,
          %swap3A_413 = vector.shape_cast %swap3A_412 : vector<16xi32> to vector<16xi32>
          %swap3A_414 = vector.shape_cast %add3A_410 : vector<16xi32> to vector<16xi32>
          tpu.vector_store %arg4[%swap3A_411], %swap3A_414 {strides = array<i32>} : memref<240xi32, #tpu.memory_space<vmem>>, vector<16xi32>,
          %add3A_415 = arith.constant 352 : i32
          %add3A_416 = arith.addi %mul3A_326, %add3A_415 : i32
          %add3A_417 = vector.broadcast %add3A_416 : i32 to vector<16xi32>
          %add3A_418 = arith.addi %add3A_417, %mul3A_50 : vector<16xi32>
          %swap3A_419 = arith.constant 176 : index
          %swap3A_420 = tpu.vector_load %arg4[%swap3A_419] {strides = array<i32>} : memref<240xi32, #tpu.memory_space<vmem>>, vector<16xi32>,
          %swap3A_421 = vector.shape_cast %swap3A_420 : vector<16xi32> to vector<16xi32>
          %swap3A_422 = vector.shape_cast %add3A_418 : vector<16xi32> to vector<16xi32>
          tpu.vector_store %arg4[%swap3A_419], %swap3A_422 {strides = array<i32>} : memref<240xi32, #tpu.memory_space<vmem>>, vector<16xi32>,
          %add3A_423 = arith.constant 384 : i32
          %add3A_424 = arith.addi %mul3A_326, %add3A_423 : i32
          %add3A_425 = vector.broadcast %add3A_424 : i32 to vector<16xi32>
          %add3A_426 = arith.addi %add3A_425, %mul3A_50 : vector<16xi32>
          %swap3A_427 = arith.constant 192 : index
          %swap3A_428 = tpu.vector_load %arg4[%swap3A_427] {strides = array<i32>} : memref<240xi32, #tpu.memory_space<vmem>>, vector<16xi32>,
          %swap3A_429 = vector.shape_cast %swap3A_428 : vector<16xi32> to vector<16xi32>
          %swap3A_430 = vector.shape_cast %add3A_426 : vector<16xi32> to vector<16xi32>
          tpu.vector_store %arg4[%swap3A_427], %swap3A_430 {strides = array<i32>} : memref<240xi32, #tpu.memory_space<vmem>>, vector<16xi32>,
          %add3A_431 = arith.constant 416 : i32
          %add3A_432 = arith.addi %mul3A_326, %add3A_431 : i32
          %add3A_433 = vector.broadcast %add3A_432 : i32 to vector<16xi32>
          %add3A_434 = arith.addi %add3A_433, %mul3A_50 : vector<16xi32>
          %swap3A_435 = arith.constant 208 : index
          %swap3A_436 = tpu.vector_load %arg4[%swap3A_435] {strides = array<i32>} : memref<240xi32, #tpu.memory_space<vmem>>, vector<16xi32>,
          %swap3A_437 = vector.shape_cast %swap3A_436 : vector<16xi32> to vector<16xi32>
          %swap3A_438 = vector.shape_cast %add3A_434 : vector<16xi32> to vector<16xi32>
          tpu.vector_store %arg4[%swap3A_435], %swap3A_438 {strides = array<i32>} : memref<240xi32, #tpu.memory_space<vmem>>, vector<16xi32>,
          %add3A_439 = arith.constant 448 : i32
          %add3A_440 = arith.addi %mul3A_326, %add3A_439 : i32
          %add3A_441 = vector.broadcast %add3A_440 : i32 to vector<16xi32>
          %add3A_442 = arith.addi %add3A_441, %mul3A_50 : vector<16xi32>
          %swap3A_443 = arith.constant 224 : index
          %swap3A_444 = tpu.vector_load %arg4[%swap3A_443] {strides = array<i32>} : memref<240xi32, #tpu.memory_space<vmem>>, vector<16xi32>,
          %swap3A_445 = vector.shape_cast %swap3A_444 : vector<16xi32> to vector<16xi32>
          %swap3A_446 = vector.shape_cast %add3A_442 : vector<16xi32> to vector<16xi32>
          tpu.vector_store %arg4[%swap3A_443], %swap3A_446 {strides = array<i32>} : memref<240xi32, #tpu.memory_space<vmem>>, vector<16xi32>,
          %dma_start3A_447 = arith.constant 0 : i32
          %dma_start3A_448 = arith.constant 0 : i32
          %dma_start3A_449 = tpu.memref_slice %arg2[%dma_start3A_447, %dma_start3A_448] : memref<500000x128xf32, #tpu.memory_space<hbm>> -> memref<500000x128xf32, #tpu.memory_space<hbm>>
          tpu.enqueue_indirect_dma source(%dma_start3A_449 : memref<500000x128xf32, #tpu.memory_space<hbm>>) target(%arg8 : memref<240x128xf32, #tpu.memory_space<vmem>>) offsets(%arg4 : memref<240xi32, #tpu.memory_space<vmem>>) semaphore(%arg12 : memref<!tpu.dma_semaphore, #tpu.memory_space<semaphore_mem>>)
        } else {
        }
        %dma_wait3A_304 = arith.constant 0 : i32
        %dma_wait3A_305 = arith.constant 0 : i32
        %dma_wait3A_306 = tpu.memref_slice %arg2[%dma_wait3A_304, %dma_wait3A_305] : memref<500000x128xf32, #tpu.memory_space<hbm>> -> memref<500000x128xf32, #tpu.memory_space<hbm>>
        tpu.wait_indirect_dma semaphore(%arg15 : memref<!tpu.dma_semaphore, #tpu.memory_space<semaphore_mem>>) src(%dma_wait3A_306 : memref<500000x128xf32, #tpu.memory_space<hbm>>) dst(%arg11 : memref<240x128xf32, #tpu.memory_space<vmem>>)
        %add3A_307 = arith.addi %select_n3A, %while3A_212 : i32
        %mul3A_308 = arith.constant 240 : i32
        %mul3A_309 = arith.muli %add3A_307, %mul3A_308 : i32
        %dma_start3A_310 = arith.constant 0 : i32
        %dma_start3A_311 = tpu.memref_slice %arg3[%mul3A_309, %dma_start3A_310] : memref<250000x128xf32, #tpu.memory_space<hbm>> -> memref<240x128xf32, #tpu.memory_space<hbm>>
        %dma_start3A_312 = arith.constant 0 : i32
        %dma_start3A_313 = tpu.memref_slice %arg3[%mul3A_309, %dma_start3A_312] : memref<250000x128xf32, #tpu.memory_space<hbm>> -> memref<240x128xf32, #tpu.memory_space<hbm>>
        tpu.enqueue_dma source(%arg11 : memref<240x128xf32, #tpu.memory_space<vmem>>) target(%dma_start3A_313 : memref<240x128xf32, #tpu.memory_space<hbm>>) target_semaphore(%arg19 : memref<!tpu.dma_semaphore, #tpu.memory_space<semaphore_mem>>)
      } else {
      }
      %while3A_297 = arith.constant 0 : i32
      scf.yield %while3A_297 : i32
    }
    %dma_wait3A = arith.constant 0 : i32
    %dma_wait3A_187 = arith.constant 0 : i32
    %dma_wait3A_188 = tpu.memref_slice %arg3[%dma_wait3A, %dma_wait3A_187] : memref<250000x128xf32, #tpu.memory_space<hbm>> -> memref<240x128xf32, #tpu.memory_space<hbm>>
    %dma_wait3A_189 = arith.constant 0 : i32
    %dma_wait3A_190 = arith.constant 0 : i32
    %dma_wait3A_191 = tpu.memref_slice %arg3[%dma_wait3A_189, %dma_wait3A_190] : memref<250000x128xf32, #tpu.memory_space<hbm>> -> memref<240x128xf32, #tpu.memory_space<hbm>>
    tpu.wait_dma2 semaphore(%arg16 : memref<!tpu.dma_semaphore, #tpu.memory_space<semaphore_mem>>) src(%arg8 : memref<240x128xf32, #tpu.memory_space<vmem>>) dst(%dma_wait3A_191 : memref<240x128xf32, #tpu.memory_space<hbm>>)
    %dma_wait3A_192 = arith.constant 0 : i32
    %dma_wait3A_193 = arith.constant 0 : i32
    %dma_wait3A_194 = tpu.memref_slice %arg3[%dma_wait3A_192, %dma_wait3A_193] : memref<250000x128xf32, #tpu.memory_space<hbm>> -> memref<240x128xf32, #tpu.memory_space<hbm>>
    %dma_wait3A_195 = arith.constant 0 : i32
    %dma_wait3A_196 = arith.constant 0 : i32
    %dma_wait3A_197 = tpu.memref_slice %arg3[%dma_wait3A_195, %dma_wait3A_196] : memref<250000x128xf32, #tpu.memory_space<hbm>> -> memref<240x128xf32, #tpu.memory_space<hbm>>
    tpu.wait_dma2 semaphore(%arg17 : memref<!tpu.dma_semaphore, #tpu.memory_space<semaphore_mem>>) src(%arg9 : memref<240x128xf32, #tpu.memory_space<vmem>>) dst(%dma_wait3A_197 : memref<240x128xf32, #tpu.memory_space<hbm>>)
    %dma_wait3A_198 = arith.constant 0 : i32
    %dma_wait3A_199 = arith.constant 0 : i32
    %dma_wait3A_200 = tpu.memref_slice %arg3[%dma_wait3A_198, %dma_wait3A_199] : memref<250000x128xf32, #tpu.memory_space<hbm>> -> memref<240x128xf32, #tpu.memory_space<hbm>>
    %dma_wait3A_201 = arith.constant 0 : i32
    %dma_wait3A_202 = arith.constant 0 : i32
    %dma_wait3A_203 = tpu.memref_slice %arg3[%dma_wait3A_201, %dma_wait3A_202] : memref<250000x128xf32, #tpu.memory_space<hbm>> -> memref<240x128xf32, #tpu.memory_space<hbm>>
    tpu.wait_dma2 semaphore(%arg18 : memref<!tpu.dma_semaphore, #tpu.memory_space<semaphore_mem>>) src(%arg10 : memref<240x128xf32, #tpu.memory_space<vmem>>) dst(%dma_wait3A_203 : memref<240x128xf32, #tpu.memory_space<hbm>>)
    %dma_wait3A_204 = arith.constant 0 : i32
    %dma_wait3A_205 = arith.constant 0 : i32
    %dma_wait3A_206 = tpu.memref_slice %arg3[%dma_wait3A_204, %dma_wait3A_205] : memref<250000x128xf32, #tpu.memory_space<hbm>> -> memref<240x128xf32, #tpu.memory_space<hbm>>
    %dma_wait3A_207 = arith.constant 0 : i32
    %dma_wait3A_208 = arith.constant 0 : i32
    %dma_wait3A_209 = tpu.memref_slice %arg3[%dma_wait3A_207, %dma_wait3A_208] : memref<250000x128xf32, #tpu.memory_space<hbm>> -> memref<240x128xf32, #tpu.memory_space<hbm>>
    tpu.wait_dma2 semaphore(%arg19 : memref<!tpu.dma_semaphore, #tpu.memory_space<semaphore_mem>>) src(%arg11 : memref<240x128xf32, #tpu.memory_space<vmem>>) dst(%dma_wait3A_209 : memref<240x128xf32, #tpu.memory_space<hbm>>)
    %eq3A = arith.constant 17 : i32
    %eq3A_210 = arith.cmpi eq, %add3A, %eq3A : i32
    %convert_element_type3A = arith.extui %eq3A_210 : i1 to i32
    %cond3A = arith.constant 0 : i32
    %cond3A_211 = arith.cmpi ne, %convert_element_type3A, %cond3A : i32
    scf.if %cond3A_211 {
      %add3A_212 = arith.constant 499680 : i32
      %add3A_213 = vector.broadcast %add3A_212 : i32 to vector<16xi32>
      %add3A_214 = arith.addi %add3A_213, %mul3A_50 : vector<16xi32>
      %swap3A_215 = arith.constant 0 : index
      %swap3A_216 = tpu.vector_load %arg4[%swap3A_215] {strides = array<i32>} : memref<240xi32, #tpu.memory_space<vmem>>, vector<16xi32>,
      %swap3A_217 = vector.shape_cast %swap3A_216 : vector<16xi32> to vector<16xi32>
      %swap3A_218 = vector.shape_cast %add3A_214 : vector<16xi32> to vector<16xi32>
      tpu.vector_store %arg4[%swap3A_215], %swap3A_218 {strides = array<i32>} : memref<240xi32, #tpu.memory_space<vmem>>, vector<16xi32>,
      %add3A_219 = arith.constant 499712 : i32
      %add3A_220 = vector.broadcast %add3A_219 : i32 to vector<16xi32>
      %add3A_221 = arith.addi %add3A_220, %mul3A_50 : vector<16xi32>
      %swap3A_222 = arith.constant 16 : index
      %swap3A_223 = tpu.vector_load %arg4[%swap3A_222] {strides = array<i32>} : memref<240xi32, #tpu.memory_space<vmem>>, vector<16xi32>,
      %swap3A_224 = vector.shape_cast %swap3A_223 : vector<16xi32> to vector<16xi32>
      %swap3A_225 = vector.shape_cast %add3A_221 : vector<16xi32> to vector<16xi32>
      tpu.vector_store %arg4[%swap3A_222], %swap3A_225 {strides = array<i32>} : memref<240xi32, #tpu.memory_space<vmem>>, vector<16xi32>,
      %add3A_226 = arith.constant 499744 : i32
      %add3A_227 = vector.broadcast %add3A_226 : i32 to vector<16xi32>
      %add3A_228 = arith.addi %add3A_227, %mul3A_50 : vector<16xi32>
      %swap3A_229 = arith.constant 32 : index
      %swap3A_230 = tpu.vector_load %arg4[%swap3A_229] {strides = array<i32>} : memref<240xi32, #tpu.memory_space<vmem>>, vector<16xi32>,
      %swap3A_231 = vector.shape_cast %swap3A_230 : vector<16xi32> to vector<16xi32>
      %swap3A_232 = vector.shape_cast %add3A_228 : vector<16xi32> to vector<16xi32>
      tpu.vector_store %arg4[%swap3A_229], %swap3A_232 {strides = array<i32>} : memref<240xi32, #tpu.memory_space<vmem>>, vector<16xi32>,
      %add3A_233 = arith.constant 499776 : i32
      %add3A_234 = vector.broadcast %add3A_233 : i32 to vector<16xi32>
      %add3A_235 = arith.addi %add3A_234, %mul3A_50 : vector<16xi32>
      %swap3A_236 = arith.constant 48 : index
      %swap3A_237 = tpu.vector_load %arg4[%swap3A_236] {strides = array<i32>} : memref<240xi32, #tpu.memory_space<vmem>>, vector<16xi32>,
      %swap3A_238 = vector.shape_cast %swap3A_237 : vector<16xi32> to vector<16xi32>
      %swap3A_239 = vector.shape_cast %add3A_235 : vector<16xi32> to vector<16xi32>
      tpu.vector_store %arg4[%swap3A_236], %swap3A_239 {strides = array<i32>} : memref<240xi32, #tpu.memory_space<vmem>>, vector<16xi32>,
      %add3A_240 = arith.constant 499808 : i32
      %add3A_241 = vector.broadcast %add3A_240 : i32 to vector<16xi32>
      %add3A_242 = arith.addi %add3A_241, %mul3A_50 : vector<16xi32>
      %swap3A_243 = arith.constant 64 : index
      %swap3A_244 = tpu.vector_load %arg4[%swap3A_243] {strides = array<i32>} : memref<240xi32, #tpu.memory_space<vmem>>, vector<16xi32>,
      %swap3A_245 = vector.shape_cast %swap3A_244 : vector<16xi32> to vector<16xi32>
      %swap3A_246 = vector.shape_cast %add3A_242 : vector<16xi32> to vector<16xi32>
      tpu.vector_store %arg4[%swap3A_243], %swap3A_246 {strides = array<i32>} : memref<240xi32, #tpu.memory_space<vmem>>, vector<16xi32>,
      %add3A_247 = arith.constant 499840 : i32
      %add3A_248 = vector.broadcast %add3A_247 : i32 to vector<16xi32>
      %add3A_249 = arith.addi %add3A_248, %mul3A_50 : vector<16xi32>
      %swap3A_250 = arith.constant 80 : index
      %swap3A_251 = tpu.vector_load %arg4[%swap3A_250] {strides = array<i32>} : memref<240xi32, #tpu.memory_space<vmem>>, vector<16xi32>,
      %swap3A_252 = vector.shape_cast %swap3A_251 : vector<16xi32> to vector<16xi32>
      %swap3A_253 = vector.shape_cast %add3A_249 : vector<16xi32> to vector<16xi32>
      tpu.vector_store %arg4[%swap3A_250], %swap3A_253 {strides = array<i32>} : memref<240xi32, #tpu.memory_space<vmem>>, vector<16xi32>,
      %add3A_254 = arith.constant 499872 : i32
      %add3A_255 = vector.broadcast %add3A_254 : i32 to vector<16xi32>
      %add3A_256 = arith.addi %add3A_255, %mul3A_50 : vector<16xi32>
      %swap3A_257 = arith.constant 96 : index
      %swap3A_258 = tpu.vector_load %arg4[%swap3A_257] {strides = array<i32>} : memref<240xi32, #tpu.memory_space<vmem>>, vector<16xi32>,
      %swap3A_259 = vector.shape_cast %swap3A_258 : vector<16xi32> to vector<16xi32>
      %swap3A_260 = vector.shape_cast %add3A_256 : vector<16xi32> to vector<16xi32>
      tpu.vector_store %arg4[%swap3A_257], %swap3A_260 {strides = array<i32>} : memref<240xi32, #tpu.memory_space<vmem>>, vector<16xi32>,
      %add3A_261 = arith.constant 499904 : i32
      %add3A_262 = vector.broadcast %add3A_261 : i32 to vector<16xi32>
      %add3A_263 = arith.addi %add3A_262, %mul3A_50 : vector<16xi32>
      %swap3A_264 = arith.constant 112 : index
      %swap3A_265 = tpu.vector_load %arg4[%swap3A_264] {strides = array<i32>} : memref<240xi32, #tpu.memory_space<vmem>>, vector<16xi32>,
      %swap3A_266 = vector.shape_cast %swap3A_265 : vector<16xi32> to vector<16xi32>
      %swap3A_267 = vector.shape_cast %add3A_263 : vector<16xi32> to vector<16xi32>
      tpu.vector_store %arg4[%swap3A_264], %swap3A_267 {strides = array<i32>} : memref<240xi32, #tpu.memory_space<vmem>>, vector<16xi32>,
      %add3A_268 = arith.constant 499936 : i32
      %add3A_269 = vector.broadcast %add3A_268 : i32 to vector<16xi32>
      %add3A_270 = arith.addi %add3A_269, %mul3A_50 : vector<16xi32>
      %swap3A_271 = arith.constant 128 : index
      %swap3A_272 = tpu.vector_load %arg4[%swap3A_271] {strides = array<i32>} : memref<240xi32, #tpu.memory_space<vmem>>, vector<16xi32>,
      %swap3A_273 = vector.shape_cast %swap3A_272 : vector<16xi32> to vector<16xi32>
      %swap3A_274 = vector.shape_cast %add3A_270 : vector<16xi32> to vector<16xi32>
      tpu.vector_store %arg4[%swap3A_271], %swap3A_274 {strides = array<i32>} : memref<240xi32, #tpu.memory_space<vmem>>, vector<16xi32>,
      %add3A_275 = arith.constant 499968 : i32
      %add3A_276 = vector.broadcast %add3A_275 : i32 to vector<16xi32>
      %add3A_277 = arith.addi %add3A_276, %mul3A_50 : vector<16xi32>
      %swap3A_278 = arith.constant 144 : index
      %swap3A_279 = tpu.vector_load %arg4[%swap3A_278] {strides = array<i32>} : memref<240xi32, #tpu.memory_space<vmem>>, vector<16xi32>,
      %swap3A_280 = vector.shape_cast %swap3A_279 : vector<16xi32> to vector<16xi32>
      %swap3A_281 = vector.shape_cast %add3A_277 : vector<16xi32> to vector<16xi32>
      tpu.vector_store %arg4[%swap3A_278], %swap3A_281 {strides = array<i32>} : memref<240xi32, #tpu.memory_space<vmem>>, vector<16xi32>,
      %dma_start3A_282 = arith.constant 0 : i32
      %dma_start3A_283 = arith.constant 0 : i32
      %dma_start3A_284 = tpu.memref_slice %arg8[%dma_start3A_282, %dma_start3A_283] : memref<240x128xf32, #tpu.memory_space<vmem>> -> memref<160x128xf32, #tpu.memory_space<vmem>>
      %dma_start3A_285 = arith.constant 0 : i32
      %dma_start3A_286 = tpu.memref_slice %arg4[%dma_start3A_285] : memref<240xi32, #tpu.memory_space<vmem>> -> memref<160xi32, #tpu.memory_space<vmem>>
      %dma_start3A_287 = arith.constant 0 : i32
      %dma_start3A_288 = arith.constant 0 : i32
      %dma_start3A_289 = tpu.memref_slice %arg2[%dma_start3A_287, %dma_start3A_288] : memref<500000x128xf32, #tpu.memory_space<hbm>> -> memref<500000x128xf32, #tpu.memory_space<hbm>>
      tpu.enqueue_indirect_dma source(%dma_start3A_289 : memref<500000x128xf32, #tpu.memory_space<hbm>>) target(%dma_start3A_284 : memref<160x128xf32, #tpu.memory_space<vmem>>) offsets(%dma_start3A_286 : memref<160xi32, #tpu.memory_space<vmem>>) semaphore(%arg12 : memref<!tpu.dma_semaphore, #tpu.memory_space<semaphore_mem>>)
      %dma_wait3A_290 = arith.constant 0 : i32
      %dma_wait3A_291 = arith.constant 0 : i32
      %dma_wait3A_292 = tpu.memref_slice %arg8[%dma_wait3A_290, %dma_wait3A_291] : memref<240x128xf32, #tpu.memory_space<vmem>> -> memref<160x128xf32, #tpu.memory_space<vmem>>
      %dma_wait3A_293 = arith.constant 0 : i32
      %dma_wait3A_294 = tpu.memref_slice %arg4[%dma_wait3A_293] : memref<240xi32, #tpu.memory_space<vmem>> -> memref<160xi32, #tpu.memory_space<vmem>>
      %dma_wait3A_295 = arith.constant 0 : i32
      %dma_wait3A_296 = arith.constant 0 : i32
      %dma_wait3A_297 = tpu.memref_slice %arg2[%dma_wait3A_295, %dma_wait3A_296] : memref<500000x128xf32, #tpu.memory_space<hbm>> -> memref<500000x128xf32, #tpu.memory_space<hbm>>
      tpu.wait_indirect_dma semaphore(%arg12 : memref<!tpu.dma_semaphore, #tpu.memory_space<semaphore_mem>>) src(%dma_wait3A_297 : memref<500000x128xf32, #tpu.memory_space<hbm>>) dst(%dma_wait3A_292 : memref<160x128xf32, #tpu.memory_space<vmem>>)
      "tpu.region"() ({
        %run_scoped3A = tpu.sem_alloc : memref<!tpu.dma_semaphore, #tpu.memory_space<semaphore_mem>>
        %dma_start3A_298 = arith.constant 0 : i32
        %dma_start3A_299 = arith.constant 0 : i32
        %dma_start3A_300 = tpu.memref_slice %arg8[%dma_start3A_298, %dma_start3A_299] : memref<240x128xf32, #tpu.memory_space<vmem>> -> memref<160x128xf32, #tpu.memory_space<vmem>>
        %dma_start3A_301 = arith.constant 249840 : i32
        %dma_start3A_302 = arith.constant 0 : i32
        %dma_start3A_303 = tpu.memref_slice %arg3[%dma_start3A_301, %dma_start3A_302] : memref<250000x128xf32, #tpu.memory_space<hbm>> -> memref<160x128xf32, #tpu.memory_space<hbm>>
        %dma_start3A_304 = arith.constant 249840 : i32
        %dma_start3A_305 = arith.constant 0 : i32
        %dma_start3A_306 = tpu.memref_slice %arg3[%dma_start3A_304, %dma_start3A_305] : memref<250000x128xf32, #tpu.memory_space<hbm>> -> memref<160x128xf32, #tpu.memory_space<hbm>>
        %dma_start3A_307 = arith.constant 0 : i32
        %dma_start3A_308 = arith.constant 0 : i32
        %dma_start3A_309 = tpu.memref_slice %arg8[%dma_start3A_307, %dma_start3A_308] : memref<240x128xf32, #tpu.memory_space<vmem>> -> memref<160x128xf32, #tpu.memory_space<vmem>>
        tpu.enqueue_dma source(%dma_start3A_309 : memref<160x128xf32, #tpu.memory_space<vmem>>) target(%dma_start3A_306 : memref<160x128xf32, #tpu.memory_space<hbm>>) target_semaphore(%run_scoped3A : memref<!tpu.dma_semaphore, #tpu.memory_space<semaphore_mem>>)
        %dma_wait3A_310 = arith.constant 0 : i32
        %dma_wait3A_311 = arith.constant 0 : i32
        %dma_wait3A_312 = tpu.memref_slice %arg8[%dma_wait3A_310, %dma_wait3A_311] : memref<240x128xf32, #tpu.memory_space<vmem>> -> memref<160x128xf32, #tpu.memory_space<vmem>>
        %dma_wait3A_313 = arith.constant 249840 : i32
        %dma_wait3A_314 = arith.constant 0 : i32
        %dma_wait3A_315 = tpu.memref_slice %arg3[%dma_wait3A_313, %dma_wait3A_314] : memref<250000x128xf32, #tpu.memory_space<hbm>> -> memref<160x128xf32, #tpu.memory_space<hbm>>
        %dma_wait3A_316 = arith.constant 249840 : i32
        %dma_wait3A_317 = arith.constant 0 : i32
        %dma_wait3A_318 = tpu.memref_slice %arg3[%dma_wait3A_316, %dma_wait3A_317] : memref<250000x128xf32, #tpu.memory_space<hbm>> -> memref<160x128xf32, #tpu.memory_space<hbm>>
        %dma_wait3A_319 = arith.constant 0 : i32
        %dma_wait3A_320 = arith.constant 0 : i32
        %dma_wait3A_321 = tpu.memref_slice %arg8[%dma_wait3A_319, %dma_wait3A_320] : memref<240x128xf32, #tpu.memory_space<vmem>> -> memref<160x128xf32, #tpu.memory_space<vmem>>
        tpu.wait_dma2 semaphore(%run_scoped3A : memref<!tpu.dma_semaphore, #tpu.memory_space<semaphore_mem>>) src(%dma_wait3A_321 : memref<160x128xf32, #tpu.memory_space<vmem>>) dst(%dma_wait3A_318 : memref<160x128xf32, #tpu.memory_space<hbm>>)
        tpu.yield
      }) : () -> ()
    } else {
    }
    return
  }
}

</mosaic_0001>

<sc_bundles>
// kernel: kernel.3.cloned.1.call-start
scs
__scs_entry_jumppad:
0x0: {  	(pc) =	sbr.rel $0x88, $3  }
0x1: {  	(tag) =	ssettag $0x0;
	lr =	simm.s32 $0x1  }
0x2: {  	[smem:$0x3FA0] =	sst lr;
	_ =	strace $0xD0000000  }
0x3: {  	_ = 	snop  }
0x4: {  	_ = 	snop  }
0x5: {  	_ = 	snop  }
0x6: {  	_ = 	snop  }
0x7: {  	_ = 	snop  }
__scs_overlays_trampoline_lowered:
0x8: {  	[smem:$0x3FAF] =	sst s0  }
0x9: {  	[smem:$0x3FB0] =	sst s1  }
0xa: {  	[smem:$0x3FB1] =	sst s2  }
0xb: {  	[smem:$0x3FB2] =	sst s3  }
0xc: {  	[smem:$0x3FB3] =	sst s4  }
0xd: {  	[smem:$0x3FB4] =	sst s5  }
0xe: {  	[smem:$0x3FB5] =	sst s6  }
0xf: {  	[smem:$0x3FB6] =	sst s7  }
0x10: {  	[smem:$0x3FB7] =	sst s8  }
0x11: {  	[smem:$0x3FB8] =	sst s9;
	s0 =	simm.s32 @!p0 $0x0  }
0x12: {  	s1 =	sld [smem:$0x3F9E];
	s0 =	simm.s32 @p0 $0x1  }
0x13: {  	[smem:$0x3FB9] =	sst s0;
	s0 =	simm.s32 @!p1 $0x0  }
0x14: {  	s2 =	sld [smem:$0x3F9D];
	s0 =	simm.s32 @p1 $0x1  }
0x15: {  	[smem:$0x3FBA] =	sst s0;
	s0 =	simm.s32 @!p2 $0x0  }
0x16: {  	s3 =	sld [smem:$0x3FDB];
	s0 =	simm.s32 @p2 $0x1  }
0x17: {  	s4 =	simm.s32 $0x1BF5;
	[smem:$0x3FBC] =	sst s0  }
0x18: {  	s0 =	sld [smem:$0x3F9F];
	_ =	swait.ge [sflag:s4], $0x0  }
0x19: {  	s7 =	sld [smem:$0x3FA0]  }
0x1a: {  	s8 =	sadd.s32 $0xFFFFE003, lr  }
0x1b: {  	s9 =	sadd.s32 $0xFFFFFEF7, lr;
	s5 =	simm.s32 $0xFFFFFFFF;
	p2 =	slt.u32 s8, $0xFFFFF086  }
0x1c: {  	p1 =	slt.u32 s9, $0xF7A;
	s5 =	simm.s32 @!p2 $0x0  }
0x1d: {  	s5 =	simm.s32 @p1 $0x1;
	p0 =	seq.s32 s7, s2  }
0x1e: {  	s7 =	smul.u32 @!p0 $0xF7A, s2;
	p2 =	seq.s32 @!p0 s5, $0x0  }
0x1f: {  	s9 =	smul.u32 $0xF7A, s1;
	s8 =	simm.s32 @!p0 $0x1BF5;
	p2 =	por !p2, p0  }
0x20: {  	[sflag:s8] =	ssyncset.s32 @!p0 $0xFFFFF086;
	s6 =	sadd.s32 @!p0 s3, s7;
	s7 =	simm.s32 @!p0 $0x108  }
0x21: {  	s3 =	sadd.s32 s3, s9;
	s6 =	sadd.s32 @!p0 $0x88, s6;
	s7 =	simm.s32 @p2 $0x1082  }
0x22: {  	[simem:s7], [sflag:s8] =	dma.local @!p0 [hbm:s6], $0xF7A  }
0x23: {  	s9 =	sor.u32 $0xD0000000, s2;
	s6 =	simm.s32 $0x108;
	_ =	swait.ge @!p0 [sflag:s8], $0x0  }
0x24: {  	s3 =	sadd.s32 $0x88, s3;
	s6 =	simm.s32 @!p1 $0x1082;
	[sflag:s4] =	ssyncset.s32 $0xFFFFF086  }
0x25: {  	[simem:s6], [sflag:s4] =	dma.local [hbm:s3], $0xF7A  }
0x26: {  	[smem:$0x3FA0] =	sst s1;
	(tag) =	ssettag s2;
	_ =	strace s9  }
0x27: {  	s1 =	sld [smem:$0x3FB0]  }
0x28: {  	s2 =	sld [smem:$0x3FB1]  }
0x29: {  	s4 =	sld [smem:$0x3FB3]  }
0x2a: {  	p0 =	seq.s32 s5, $0x0;
	s5 =	sld [smem:$0x3FB4]  }
0x2b: {  	s6 =	sld [smem:$0x3FB5]  }
0x2c: {  	s7 =	sld [smem:$0x3FB6]  }
0x2d: {  	s3 =	simm.s32 $0x108;
	s8 =	sld [smem:$0x3FB7]  }
0x2e: {  	s3 =	simm.s32 @!p0 $0x1082;
	s9 =	sld [smem:$0x3FB8]  }
0x2f: {  	lr =	sadd.s32 s0, s3;
	s0 =	sld [smem:$0x3FAF]  }
0x30: {  	s3 =	sld [smem:$0x3FB2]  }
0x31: {  	[smem:$0x3FBB] =	sst s10  }
0x32: {  	s10 =	sld [smem:$0x3FB9];
	_ =	sdelay $0x3  }
0x33: {  	p0 =	seq.s32 s10, $0x1;
	s10 =	sld [smem:$0x3FBB];
	_ =	sdelay $0x3  }
0x34: {  	[smem:$0x3FBB] =	sst s10  }
0x35: {  	s10 =	sld [smem:$0x3FBA];
	_ =	sdelay $0x3  }
0x36: {  	p1 =	seq.s32 s10, $0x1;
	s10 =	sld [smem:$0x3FBB];
	_ =	sdelay $0x3  }
0x37: {  	[smem:$0x3FBB] =	sst s10  }
0x38: {  	s10 =	sld [smem:$0x3FBC]  }
0x39: {  	_ = 	snop;
	(pc) =	sbr.ind lr, $3  }
0x3a: {  	_ = 	snop  }
0x3b: {  	_ = 	snop  }
0x3c: {  	p2 =	seq.s32 s10, $0x1;
	s10 =	sld [smem:$0x3FBB]  }
0x3d: {  	_ =	shalt  }
0x3e: {  	_ =	shalt  }
0x3f: {  	_ =	shalt  }
0x40: {  	_ =	shalt  }
0x41: {  	_ =	shalt  }
0x42: {  	_ =	shalt  }
0x43: {  	_ =	shalt  }
0x44: {  	_ =	shalt  }
0x45: {  	_ =	shalt  }
0x46: {  	_ =	shalt  }
0x47: {  	_ =	shalt  }
0x48: {  	_ =	shalt  }
0x49: {  	_ =	shalt  }
0x4a: {  	_ =	shalt  }
0x4b: {  	_ =	shalt  }
0x4c: {  	_ =	shalt  }
0x4d: {  	_ =	shalt  }
0x4e: {  	_ =	shalt  }
0x4f: {  	_ =	shalt  }
0x50: {  	_ =	shalt  }
0x51: {  	_ =	shalt  }
0x52: {  	_ =	shalt  }
0x53: {  	_ =	shalt  }
0x54: {  	_ =	shalt  }
0x55: {  	_ =	shalt  }
0x56: {  	_ =	shalt  }
0x57: {  	_ =	shalt  }
0x58: {  	_ =	shalt  }
0x59: {  	_ =	shalt  }
0x5a: {  	_ =	shalt  }
0x5b: {  	_ =	shalt  }
0x5c: {  	_ =	shalt  }
0x5d: {  	_ =	shalt  }
0x5e: {  	_ =	shalt  }
0x5f: {  	_ =	shalt  }
0x60: {  	_ =	shalt  }
0x61: {  	_ =	shalt  }
0x62: {  	_ =	shalt  }
0x63: {  	_ =	shalt  }
0x64: {  	_ =	shalt  }
0x65: {  	_ =	shalt  }
0x66: {  	_ =	shalt  }
0x67: {  	_ =	shalt  }
0x68: {  	_ =	shalt  }
0x69: {  	_ =	shalt  }
0x6a: {  	_ =	shalt  }
0x6b: {  	_ =	shalt  }
0x6c: {  	_ =	shalt  }
0x6d: {  	_ =	shalt  }
0x6e: {  	_ =	shalt  }
0x6f: {  	_ =	shalt  }
0x70: {  	_ =	shalt  }
0x71: {  	_ =	shalt  }
0x72: {  	_ =	shalt  }
0x73: {  	_ =	shalt  }
0x74: {  	_ =	shalt  }
0x75: {  	_ =	shalt  }
0x76: {  	_ =	shalt  }
0x77: {  	_ =	shalt  }
0x78: {  	_ =	shalt  }
0x79: {  	_ =	shalt  }
0x7a: {  	_ =	shalt  }
0x7b: {  	_ =	shalt  }
0x7c: {  	_ =	shalt  }
0x7d: {  	_ =	shalt  }
0x7e: {  	_ =	shalt  }
0x7f: {  	_ =	shalt  }
0x80: {  	_ =	shalt  }
0x81: {  	_ =	shalt  }
0x82: {  	_ =	shalt  }
0x83: {  	_ =	shalt  }
0x84: {  	_ =	shalt  }
0x85: {  	_ =	shalt  }
0x86: {  	_ =	shalt  }
0x87: {  	_ =	shalt  }
.Lfunc_end0:
.L_simem_size_0:
called_computation_lowered:
.L_overlay_start_0:
0x88: {  	s2 =	sld [smem:$0x3FD9]  }
0x89: {  	s3 =	sld [smem:$0x3FFE];
	_ =	sdelay $0x1  }
0x8a: {  	s1 =	srdreg.scid  }
0x8b: {  	s0 =	sand.u32 $0x1, s1  }
0x8c: {  	s18 =	sshll.u32 s0, $0xA;
	s2 =	sadd.s32 s3, s2  }
0x8d: {  	s2 =	sadd.s32 s2, s18  }
0x8e: {  	[smem:$0x3FC7] =	sst s2  }
0x8f: {  	_ = 	snop  }
0x90: {  	s2 =	sld [smem:$0x3FC9]  }
0x91: {  	s19 =	sld [smem:$0x3FD0];
	(tm) =	ssettm $0x1  }
0x92: {  	s4 =	sld [smem:$0x3FFB];
	_ =	sdelay $0x3  }
0x93: {  	_ =	strace s4  }
0x94: {  	s4 =	sld [smem:$0x3FFC];
	_ =	sdelay $0x3  }
0x95: {  	_ =	strace s4  }
0x96: {  	s4 =	sld [smem:$0x3FFD];
	_ =	sdelay $0x3  }
0x97: {  	_ =	strace s4  }
0x98: {  	_ =	strace $0x8FFFFFFF  }
0x99: {  	s20 =	sld [smem:$0x3FDB];
	_ =	sdelay $0x1  }
0x9a: {  	s5 =	simm.s32 $_scs_section_size  }
0x9b: {  	s6 =	simm.s32 $_size__tile_overlayer_lowered;
	s7 =	simm.s32 $_tile_overlayer_lowered  }
0x9c: {  	s23 =	simm.s32 $0x1BFF;
	s22 =	sshll.u32 s7, $0x1;
	s4 =	sadd.s32 s5, s20  }
0x9d: {  	s8 =	simm.s32 $0x0;
	s21 =	sshll.u32 s6, $0x1;
	s6 =	sadd.s32 s22, s4  }
0x9e: {  	[timem:s8], [sflag:s23] =	dma.local [hbm:s6], s21  }
0x9f: {  	_ =	swait.ge [sflag:s23], s21  }
0xa0: {  	s5 =	ssub.s32 $0x0, s21;
	[sflag:s23] =	ssyncset.done $0x0  }
0xa1: {  	[sflag:s23] =	ssyncadd.s32 s5;
	_ =	sdelay $0x1  }
0xa2: {  	s24 =	simm.s32 $0x1B8B  }
0xa3: {  	_ =	swait.ge [sflag:s24], $0x1  }
0xa4: {  	[sflag:s24] =	ssyncset.done $0x0  }
0xa5: {  	s25 =	simm.s32 $0x1B8E;
	[sflag:s24] =	ssyncadd.s32 $0xFFFFFFFF  }
0xa6: {  	s26 =	simm.s32 $execute0_lowered;
	[smem:$0x3FD2] =	sst s25  }
0xa7: {  	s5 =	sshll.u32 s26, $0x1;
	_ =	strace $0x80000046;
	[dreg:$0x1] =	wrdreg $0xFFFFFFFF  }
0xa8: {  	s28 =	simm.s32 $_size_execute0_lowered;
	s4 =	sadd.s32 s4, s5;
	[dreg:$0x0] =	wrdreg $0x0  }
0xa9: {  	s5 =	sshll.u32 s28, $0x1;
	[dreg:$0x2] =	wrdreg s4  }
0xaa: {  	[dreg:$0x3] =	wrdreg s5  }
0xab: {  	[dreg:$0x4] =	wrdreg $0xC0  }
0xac: {  	_ =	task [dreg:s8], $0x5FFFF  }
0xad: {  	[dreg:$0x1] =	wrdreg $0xFFFFFFFF  }
0xae: {  	[dreg:$0x0] =	wrdreg $0x60  }
0xaf: {  	[dreg:$0x2] =	wrdreg s2  }
0xb0: {  	[dreg:$0x3] =	wrdreg s19  }
0xb1: {  	[dreg:$0x4] =	wrdreg $0x9  }
0xb2: {  	_ =	task.clear_ibuf [dreg:s8], $0x5FFFF;
	_ =	strace $0x90000046  }
0xb3: {  	s29 =	simm.s32 $0x9;
	_ =	strace $0x80000048  }
0xb4: {  	_ =	swait.ge [sflag:s29], $0x1  }
0xb5: {  	[sflag:s29] =	ssyncadd.s32 $0xFFFFFFFF  }
0xb6: {  	_ =	strace $0x90000048  }
0xb7: {  	_ =	sfence  }
0xb8: {  	s30 =	sld [smem:$0x0];
	_ =	sdelay $0x2  }
0xb9: {  	s31 =	sshll.u32 s1, $0xD;
	s1 =	sshrl.u32 s1, $0x2  }
0xba: {  	s3 =	sand.u32 $0x4000, s31;
	s1 =	sadd.s32 s1, s30  }
0xbb: {  	s0 =	sor.u32 s3, s0;
	s1 =	sshll.u32 s1, $0x11  }
0xbc: {  	s0 =	sor.u32 s1, s0  }
0xbd: {  	s0 =	sadd.s32 $0x8F2B, s0  }
0xbe: {  	[sflag:s0] =	ssyncadd.remote.s32 $0x1  }
0xbf: {  	_ =	sfence.sel $0xFFFF  }
0xc0: {  	[dreg:$0x0] =	wrdreg $0xFFFFFFFF;
	(pc) =	sbr.abs _section_cstart, $3  }
0xc1: {  	[dreg:$0x1] =	wrdreg $0xFFFFFFFF  }
0xc2: {  	_ =	task.clear_ibuf [dreg:s8], $0x2FFFF;
	_ =	strace $0x9FFFFFFF  }
0xc3: {  	(tm) =	ssettm $0x7FFFFFFF  }
tec
execute0_lowered:
.L_overlay_start_1:
0x0: {  	(tag) =	ssettag $0x1  }
0x1: {  	s0 =	srdreg.scid  }
0x2: {  	s9 =	stileid.u32;
	s2 =	rddreg [dreg:$0x0]  }
0x3: {  	s26 =	rddreg [dreg:$0x1];
	s3 =	simm.s32 $0x0;
	s12 =	simm.s32 $0x1  }
0x4: {  	s0 =	sand.u32 $0x1, s0;
	s1 =	sshll.u32 s9, $0x1;
	s29 =	smul.u32 $0x822, s9  }
0x5: {  	s19 =	sor.u32 s0, s1;
	s5 =	ssub.s32 $0x2, s0;
	s0 =	smul.u32 $0x411, s0  }
0x6: {  	s15 =	simm.s32 $0x3;
	[smem:$0x7FF] =	sst s3;
	s4 =	smul.u32 $0x411, s19  }
0x7: {  	_ =	strace $0x80000047;
	s1 =	sadd.s32 $0x3CFF00, s26;
	s7 =	sshrl.u32 s5, $0x1  }
0x8: {  	[dreg:$0x4] =	wrdreg s1;
	s0 =	sadd.s32 s0, s29;
	s6 =	sshrl.u32 s4, $0x5  }
0x9: {  	p1 =	sne.s32 s19, $0x11;
	s0 =	sshrl.u32 s0, $0x5;
	s8 =	smul.u32 $0x1E0, s6  }
0xa: {  	s7 =	ssub.s32 s5, s7;
	s4 =	sadd.s32 $0x411, s4;
	s11 =	smul.u32 $0xF00, s0  }
0xb: {  	s31 =	smax.u32 s7, $0x1;
	s4 =	sshrl.u32 s4, $0x5;
	s0 =	smul.u32 $0x1E0, s0  }
0xc: {  	[dreg:$0x5] =	wrdreg s31;
	s4 =	ssub.s32 s4, s6;
	s28 =	sadd.s32 $0x20, s8  }
0xd: {  	s30 =	sadd.s32 $0x40, s8;
	s10 =	sadd.s32 $0x60, s8;
	s13 =	sadd.s32 $0x80, s8  }
0xe: {  	v0 =	vlaneseq.u32;
	s14 =	sadd.s32 $0xA0, s8;
	s16 =	sadd.s32 $0xC0, s8;
	s17 =	sadd.s32 $0xE0, s8  }
0xf: {  	v14 =	vmul.u32 $0x2, v0;
	s18 =	sadd.s32 $0x100, s8;
	s20 =	sadd.s32 $0x120, s8;
	s21 =	sadd.s32 $0x140, s8  }
0x10: {  	s22 =	sadd.s32 $0x160, s8;
	s23 =	sadd.s32 $0x180, s8;
	s24 =	sadd.s32 $0x1A0, s8  }
.Ltmp0:
0x11: {  	s25 =	sadd.s32 $0x1C0, s8;
	s11 =	sadd.s32 s11, s26;
	v0 =	vor.u32 s8, v14;
	v1 =	vor.u32 s28, v14;
	v2 =	vor.u32 s30, v14;
	(pc) =	sbr.rel .LBB2_1-.Ltmp0, $4  }
0x12: {  	s5 =	sadd.s32 $0xFFFFFFFF, s4;
	s0 =	sadd.s32 $0x3A0, s0;
	[dreg:$0x3] =	wrdreg s11;
	v3 =	vor.u32 s10, v14;
	v4 =	vor.u32 s13, v14;
	v5 =	vor.u32 s14, v14  }
0x13: {  	p0 =	slt.s32 s4, $0x1;
	[dreg:$0x6] =	wrdreg s0;
	s11 =	simm.s32 $0x400;
	v6 =	vor.u32 s16, v14;
	v7 =	vor.u32 s17, v14;
	v8 =	vor.u32 s18, v14  }
0x14: {  	s13 =	simm.s32 $0x2;
	s14 =	simm.s32 $0x7C00;
	s16 =	simm.s32 $0xF400;
	v9 =	vor.u32 s20, v14;
	v10 =	vor.u32 s21, v14;
	v11 =	vor.u32 s22, v14  }
0x15: {  	s17 =	simm.s32 $0x4;
	s18 =	simm.s32 $0x16C00;
	v12 =	vor.u32 s23, v14;
	v13 =	vor.u32 s24, v14;
	v14 =	vor.u32 s25, v14;
	s23 =	simm.s32 $0x0  }
.LBB2_10:
0x16: {  	s0 =	simm.s32 $0x5  }
0x17: {  	_ =	swait.ge [sflag:s0], $0x7800  }
0x18: {  	[sflag:s0] =	ssyncset.done $0x0  }
0x19: {  	s28 =	simm.s32 $0x6;
	[sflag:s0] =	ssyncadd.s32 $0xFFFF8800  }
0x1a: {  	_ =	swait.ge [sflag:s28], $0x7800  }
0x1b: {  	[sflag:s28] =	ssyncset.done $0x0  }
0x1c: {  	s29 =	simm.s32 $0x7;
	[sflag:s28] =	ssyncadd.s32 $0xFFFF8800  }
0x1d: {  	_ =	swait.ge [sflag:s29], $0x7800  }
0x1e: {  	[sflag:s29] =	ssyncset.done $0x0  }
0x1f: {  	v15 =	vlaneseq.u32 @!p1;
	s30 =	simm.s32 $0x8;
	[sflag:s29] =	ssyncadd.s32 $0xFFFF8800  }
0x20: {  	v15 =	vmul.u32 @!p1 $0x2, v15;
	_ =	swait.ge [sflag:s30], $0x7800  }
0x21: {  	[sflag:s30] =	ssyncset.done $0x0  }
0x22: {  	v16 =	vor.u32 @!p1 $0x79FE0, v15;
	[sflag:s30] =	ssyncadd.s32 $0xFFFF8800  }
0x23: {  	[tilespmem:$0x0] =	vst @!p1 v16;
	v16 =	vor.u32 @!p1 $0x7A000, v15  }
0x24: {  	[tilespmem:$0x10] =	vst @!p1 v16;
	v16 =	vor.u32 @!p1 $0x7A020, v15  }
0x25: {  	[tilespmem:$0x20] =	vst @!p1 v16;
	v16 =	vor.u32 @!p1 $0x7A040, v15  }
0x26: {  	[tilespmem:$0x30] =	vst @!p1 v16;
	v16 =	vor.u32 @!p1 $0x7A060, v15  }
0x27: {  	[tilespmem:$0x40] =	vst @!p1 v16;
	v16 =	vor.u32 @!p1 $0x7A080, v15  }
0x28: {  	[tilespmem:$0x50] =	vst @!p1 v16;
	v16 =	vor.u32 @!p1 $0x7A0A0, v15  }
0x29: {  	[tilespmem:$0x60] =	vst @!p1 v16;
	v16 =	vor.u32 @!p1 $0x7A0C0, v15  }
0x2a: {  	[tilespmem:$0x70] =	vst @!p1 v16;
	v16 =	vor.u32 @!p1 $0x7A0E0, v15  }
0x2b: {  	v15 =	vor.u32 @!p1 $0x7A100, v15;
	[tilespmem:$0x80] =	vst @!p1 v16  }
0x2c: {  	s1 =	simm.s32 @!p1 $0x0;
	s6 =	simm.s32 @!p1 $0x400;
	s0 =	simm.s32 @!p1 $0xA0;
	[tilespmem:$0x90] =	vst @!p1 v15  }
0x2d: {  	[tilespmem:s6], [sflag:$0x1] =	stream.indirect.gather @!p1 [hbm4b:s2+s0], $0x80, s1, s0, $0xb8;
	[tilespmem:$0x1E400] =	vst v63  }
0x2e: {  	s0 =	simm.s32 @!p1 $0x1  }
0x2f: {  	_ =	swait.ge @!p1 [sflag:s0], $0x5000  }
0x30: {  	[sflag:s0] =	ssyncset.done @!p1 $0x0  }
0x31: {  	[sflag:s0] =	ssyncadd.s32 @!p1 $0xFFFFB000;
	s0 =	rddreg [dreg:$0x4]  }
0x32: {  	[hbm4b:s0+s1] =	stream.linear.scatter @!p1 [tilespmem:s6], [sflag:$0x9], $0x5000, $0x38;
	[tilespmem:$0x1E400] =	vst v63  }
0x33: {  	s0 =	simm.s32 @!p1 $0x9  }
0x34: {  	_ =	swait.ge @!p1 [sflag:s0], $0x5000  }
0x35: {  	s23 =	sadd.s32 $0x1, s23;
	s31 =	rddreg [dreg:$0x5]  }
0x36: {  	p2 =	sne.s32 s23, s31  }
.Ltmp1:
0x37: {  	_ = 	snop;
	(pc) =	sbr.rel @!p2 .LBB2_11-.Ltmp1, $3  }
0x38: {  	_ =	sdelay $0x1  }
0x39: {  	[sflag:s0] =	ssyncset.done @!p1 $0x0  }
0x3a: {  	[sflag:s0] =	ssyncadd.s32 @!p1 $0xFFFFB000  }
.LBB2_1:
0x3b: {  	[tilespmem:$0x0] =	vst v0  }
0x3c: {  	[tilespmem:$0x10] =	vst v1  }
0x3d: {  	[tilespmem:$0x20] =	vst v2  }
0x3e: {  	[tilespmem:$0x30] =	vst v3  }
0x3f: {  	[tilespmem:$0x40] =	vst v4  }
0x40: {  	[tilespmem:$0x50] =	vst v5  }
0x41: {  	[tilespmem:$0x60] =	vst v6  }
0x42: {  	[tilespmem:$0x70] =	vst v7  }
0x43: {  	[tilespmem:$0x80] =	vst v8  }
0x44: {  	[tilespmem:$0x90] =	vst v9  }
0x45: {  	[tilespmem:$0xA0] =	vst v10  }
.Ltmp2:
0x46: {  	[tilespmem:$0xB0] =	vst v11;
	(pc) =	sbr.rel @!p0 .LBB2_2-.Ltmp2, $4  }
.Ltmp3:
0x47: {  	[tilespmem:$0xC0] =	vst v12;
	(pc) =	sbr.rel @p0 .LBB2_10-.Ltmp3, $4  }
0x48: {  	[tilespmem:$0xD0] =	vst v13;
	s24 =	rddreg [dreg:$0x6]  }
0x49: {  	[tilespmem:$0xE0] =	vst v14;
	s0 =	simm.s32 $0xF0;
	s25 =	rddreg [dreg:$0x3];
	s26 =	simm.s32 $0x0  }
0x4a: {  	[tilespmem:s11], [sflag:$0x1] =	stream.indirect.gather [hbm4b:s2+s0], $0x80, s3, s0, $0xb8;
	[tilespmem:$0x1E400] =	vst v63  }
0x4b: {  	_ = 	snop  }
.LBB2_8:
0x4c: {  	s22 =	simm.s32 @!p3 $0x5;
	v15 =	vlaneseq.u32 @!p2  }
0x4d: {  	_ =	swait.ge @!p3 [sflag:s22], $0x7800;
	v15 =	vmul.u32 @!p2 $0x2, v15  }
0x4e: {  	[sflag:s22] =	ssyncset.done @!p3 $0x0  }
0x4f: {  	[sflag:s22] =	ssyncadd.s32 @!p3 $0xFFFF8800;
	v16 =	vor.u32 @!p2 s21, v15  }
0x50: {  	[tilespmem:$0x0] =	vst @!p2 v16;
	v16 =	vor.u32 @!p2 s20, v15  }
0x51: {  	[tilespmem:$0x10] =	vst @!p2 v16;
	v16 =	vor.u32 @!p2 s19, v15  }
0x52: {  	[tilespmem:$0x20] =	vst @!p2 v16;
	v16 =	vor.u32 @!p2 s9, v15  }
0x53: {  	[tilespmem:$0x30] =	vst @!p2 v16;
	v16 =	vor.u32 @!p2 s6, v15  }
0x54: {  	[tilespmem:$0x40] =	vst @!p2 v16;
	v16 =	vor.u32 @!p2 s8, v15  }
0x55: {  	[tilespmem:$0x50] =	vst @!p2 v16;
	v16 =	vor.u32 @!p2 s7, v15  }
0x56: {  	[tilespmem:$0x60] =	vst @!p2 v16;
	v16 =	vor.u32 @!p2 s10, v15  }
0x57: {  	[tilespmem:$0x70] =	vst @!p2 v16;
	v16 =	vor.u32 @!p2 s0, v15  }
0x58: {  	[tilespmem:$0x80] =	vst @!p2 v16;
	v16 =	vor.u32 @!p2 s1, v15  }
0x59: {  	[tilespmem:$0x90] =	vst @!p2 v16;
	v16 =	vor.u32 @!p2 s31, v15  }
0x5a: {  	[tilespmem:$0xA0] =	vst @!p2 v16;
	v16 =	vor.u32 @!p2 s30, v15  }
0x5b: {  	[tilespmem:$0xB0] =	vst @!p2 v16;
	v16 =	vor.u32 @!p2 s29, v15  }
0x5c: {  	[tilespmem:$0xC0] =	vst @!p2 v16;
	v16 =	vor.u32 @!p2 s28, v15  }
0x5d: {  	v15 =	vor.u32 @!p2 s24, v15;
	[tilespmem:$0xD0] =	vst @!p2 v16  }
0x5e: {  	s6 =	simm.s32 @!p2 $0x400;
	s0 =	simm.s32 @!p2 $0xF0;
	s1 =	simm.s32 @!p2 $0x0;
	[tilespmem:$0xE0] =	vst @!p2 v15  }
0x5f: {  	[tilespmem:s6], [sflag:$0x1] =	stream.indirect.gather @!p2 [hbm4b:s2+s0], $0x80, s1, s0, $0xb8;
	[tilespmem:$0x1E400] =	vst v63  }
0x60: {  	_ =	swait.ge [sflag:s17], $0x7800  }
0x61: {  	[sflag:s17] =	ssyncset.done $0x0  }
0x62: {  	[sflag:s17] =	ssyncadd.s32 $0xFFFF8800  }
0x63: {  	[hbm4b:s25+s3] =	stream.linear.scatter [tilespmem:s18], [sflag:$0x8], $0x7800, $0x38;
	[tilespmem:$0x1E400] =	vst v63  }
.LBB2_9:
0x64: {  	s26 =	sadd.s32 $0x1, s26  }
0x65: {  	p2 =	slt.s32 s26, s4  }
.Ltmp4:
0x66: {  	_ = 	snop;
	(pc) =	sbr.rel @!p2 .LBB2_10-.Ltmp4, $2  }
0x67: {  	_ =	sdelay $0x2  }
0x68: {  	s25 =	sadd.s32 $0xF00, s25;
	s24 =	sadd.s32 $0x1E0, s24  }
.LBB2_2:
0x69: {  	s0 =	sand.u32 $0x3, s26  }
0x6a: {  	p2 =	sgt.s32 s0, $0x1  }
.Ltmp5:
0x6b: {  	_ = 	snop;
	(pc) =	sbr.rel @p2 .LBB2_7-.Ltmp5, $1  }
0x6c: {  	_ =	sdelay $0x3  }
0x6d: {  	p2 =	seq.s32 s0, $0x0  }
.Ltmp6:
0x6e: {  	_ = 	snop;
	(pc) =	sbr.rel @!p2 .LBB2_5-.Ltmp6, $1  }
0x6f: {  	_ =	sdelay $0x3  }
0x70: {  	p2 =	sge.s32 s26, s5  }
0x71: {  	p3 =	slt.u32 @!p2 s26, $0x3  }
0x72: {  	p3 =	por p3, p2  }
0x73: {  	v15 =	vlaneseq.u32 @!p2;
	s0 =	simm.s32 @!p3 $0x6  }
0x74: {  	v15 =	vmul.u32 @!p2 $0x2, v15;
	_ =	swait.ge @!p3 [sflag:s0], $0x7800  }
0x75: {  	s1 =	sadd.s32 @!p2 $0xFFFFFE40, s24;
	[sflag:s0] =	ssyncset.done @!p3 $0x0  }
0x76: {  	v16 =	vor.u32 @!p2 s1, v15;
	[sflag:s0] =	ssyncadd.s32 @!p3 $0xFFFF8800;
	s0 =	sadd.s32 @!p2 $0xFFFFFE60, s24  }
0x77: {  	[tilespmem:$0x100] =	vst @!p2 v16;
	v16 =	vor.u32 @!p2 s0, v15;
	s0 =	sadd.s32 @!p2 $0xFFFFFE80, s24  }
0x78: {  	[tilespmem:$0x110] =	vst @!p2 v16;
	v16 =	vor.u32 @!p2 s0, v15;
	s0 =	sadd.s32 @!p2 $0xFFFFFEA0, s24  }
0x79: {  	[tilespmem:$0x120] =	vst @!p2 v16;
	v16 =	vor.u32 @!p2 s0, v15;
	s0 =	sadd.s32 @!p2 $0xFFFFFEC0, s24  }
0x7a: {  	[tilespmem:$0x130] =	vst @!p2 v16;
	v16 =	vor.u32 @!p2 s0, v15;
	s0 =	sadd.s32 @!p2 $0xFFFFFEE0, s24  }
0x7b: {  	[tilespmem:$0x140] =	vst @!p2 v16;
	v16 =	vor.u32 @!p2 s0, v15;
	s0 =	sadd.s32 @!p2 $0xFFFFFF00, s24  }
0x7c: {  	[tilespmem:$0x150] =	vst @!p2 v16;
	v16 =	vor.u32 @!p2 s0, v15;
	s0 =	sadd.s32 @!p2 $0xFFFFFF20, s24  }
0x7d: {  	[tilespmem:$0x160] =	vst @!p2 v16;
	v16 =	vor.u32 @!p2 s0, v15;
	s0 =	sadd.s32 @!p2 $0xFFFFFF40, s24  }
0x7e: {  	[tilespmem:$0x170] =	vst @!p2 v16;
	v16 =	vor.u32 @!p2 s0, v15;
	s0 =	sadd.s32 @!p2 $0xFFFFFF60, s24  }
0x7f: {  	[tilespmem:$0x180] =	vst @!p2 v16;
	v16 =	vor.u32 @!p2 s0, v15;
	s0 =	sadd.s32 @!p2 $0xFFFFFF80, s24  }
0x80: {  	[tilespmem:$0x190] =	vst @!p2 v16;
	v16 =	vor.u32 @!p2 s0, v15;
	s0 =	sadd.s32 @!p2 $0xFFFFFFA0, s24  }
0x81: {  	[tilespmem:$0x1A0] =	vst @!p2 v16;
	v16 =	vor.u32 @!p2 s0, v15;
	s0 =	sadd.s32 @!p2 $0xFFFFFFC0, s24  }
0x82: {  	[tilespmem:$0x1B0] =	vst @!p2 v16;
	v16 =	vor.u32 @!p2 s0, v15;
	s0 =	sadd.s32 @!p2 $0xFFFFFFE0, s24  }
0x83: {  	[tilespmem:$0x1C0] =	vst @!p2 v16;
	v16 =	vor.u32 @!p2 s0, v15  }
0x84: {  	v15 =	vor.u32 @!p2 s24, v15;
	[tilespmem:$0x1D0] =	vst @!p2 v16  }
0x85: {  	s6 =	simm.s32 @!p2 $0x7C00;
	s1 =	simm.s32 @!p2 $0x100;
	s0 =	simm.s32 @!p2 $0xF0;
	[tilespmem:$0x1E0] =	vst @!p2 v15  }
0x86: {  	[tilespmem:s6], [sflag:$0x2] =	stream.indirect.gather @!p2 [hbm4b:s2+s0], $0x80, s1, s0, $0xb8;
	[tilespmem:$0x1E400] =	vst v63  }
.Ltmp7:
0x87: {  	_ = 	snop;
	(pc) =	sbr.rel .LBB2_9-.Ltmp7, $4  }
0x88: {  	_ =	swait.ge [sflag:s12], $0x7800  }
0x89: {  	[sflag:s12] =	ssyncset.done $0x0  }
0x8a: {  	[sflag:s12] =	ssyncadd.s32 $0xFFFF8800  }
0x8b: {  	[hbm4b:s25+s3] =	stream.linear.scatter [tilespmem:s11], [sflag:$0x5], $0x7800, $0x38;
	[tilespmem:$0x1E400] =	vst v63  }
.LBB2_7:
0x8c: {  	p2 =	sge.s32 s26, s5  }
0x8d: {  	p4 =	seq.s32 s0, $0x2;
	p3 =	slt.u32 @!p2 s26, $0x3;
	s21 =	sadd.s32 @!p2 $0xFFFFFE40, s24  }
.Ltmp8:
0x8e: {  	s20 =	sadd.s32 @!p2 $0xFFFFFE60, s24;
	s19 =	sadd.s32 @!p2 $0xFFFFFE80, s24;
	(pc) =	sbr.rel @!p4 .LBB2_8-.Ltmp8, $4  }
0x8f: {  	s9 =	sadd.s32 @!p2 $0xFFFFFEA0, s24;
	s6 =	sadd.s32 @!p2 $0xFFFFFEC0, s24;
	s8 =	sadd.s32 @!p2 $0xFFFFFEE0, s24  }
0x90: {  	s7 =	sadd.s32 @!p2 $0xFFFFFF00, s24;
	s10 =	sadd.s32 @!p2 $0xFFFFFF20, s24;
	s0 =	sadd.s32 @!p2 $0xFFFFFF40, s24  }
0x91: {  	s1 =	sadd.s32 @!p2 $0xFFFFFF60, s24;
	s31 =	sadd.s32 @!p2 $0xFFFFFF80, s24;
	s30 =	sadd.s32 @!p2 $0xFFFFFFA0, s24  }
0x92: {  	s29 =	sadd.s32 @!p2 $0xFFFFFFC0, s24;
	s28 =	sadd.s32 @!p2 $0xFFFFFFE0, s24;
	p3 =	por p3, p2  }
0x93: {  	s22 =	simm.s32 @!p3 $0x8;
	v15 =	vlaneseq.u32 @!p2  }
0x94: {  	_ =	swait.ge @!p3 [sflag:s22], $0x7800;
	v15 =	vmul.u32 @!p2 $0x2, v15  }
0x95: {  	[sflag:s22] =	ssyncset.done @!p3 $0x0  }
0x96: {  	[sflag:s22] =	ssyncadd.s32 @!p3 $0xFFFF8800;
	v16 =	vor.u32 @!p2 s21, v15  }
0x97: {  	[tilespmem:$0x300] =	vst @!p2 v16;
	v16 =	vor.u32 @!p2 s20, v15  }
0x98: {  	[tilespmem:$0x310] =	vst @!p2 v16;
	v16 =	vor.u32 @!p2 s19, v15  }
0x99: {  	[tilespmem:$0x320] =	vst @!p2 v16;
	v16 =	vor.u32 @!p2 s9, v15  }
0x9a: {  	[tilespmem:$0x330] =	vst @!p2 v16;
	v16 =	vor.u32 @!p2 s6, v15  }
0x9b: {  	[tilespmem:$0x340] =	vst @!p2 v16;
	v16 =	vor.u32 @!p2 s8, v15  }
0x9c: {  	[tilespmem:$0x350] =	vst @!p2 v16;
	v16 =	vor.u32 @!p2 s7, v15  }
0x9d: {  	[tilespmem:$0x360] =	vst @!p2 v16;
	v16 =	vor.u32 @!p2 s10, v15  }
0x9e: {  	[tilespmem:$0x370] =	vst @!p2 v16;
	v16 =	vor.u32 @!p2 s0, v15  }
0x9f: {  	[tilespmem:$0x380] =	vst @!p2 v16;
	v16 =	vor.u32 @!p2 s1, v15  }
0xa0: {  	[tilespmem:$0x390] =	vst @!p2 v16;
	v16 =	vor.u32 @!p2 s31, v15  }
0xa1: {  	[tilespmem:$0x3A0] =	vst @!p2 v16;
	v16 =	vor.u32 @!p2 s30, v15  }
0xa2: {  	[tilespmem:$0x3B0] =	vst @!p2 v16;
	v16 =	vor.u32 @!p2 s29, v15  }
0xa3: {  	[tilespmem:$0x3C0] =	vst @!p2 v16;
	v16 =	vor.u32 @!p2 s28, v15  }
0xa4: {  	v15 =	vor.u32 @!p2 s24, v15;
	[tilespmem:$0x3D0] =	vst @!p2 v16  }
0xa5: {  	s6 =	simm.s32 @!p2 $0x16C00;
	s0 =	simm.s32 @!p2 $0xF0;
	s1 =	simm.s32 @!p2 $0x300;
	[tilespmem:$0x3E0] =	vst @!p2 v15  }
0xa6: {  	[tilespmem:s6], [sflag:$0x4] =	stream.indirect.gather @!p2 [hbm4b:s2+s0], $0x80, s1, s0, $0xb8;
	[tilespmem:$0x1E400] =	vst v63  }
.Ltmp9:
0xa7: {  	_ = 	snop;
	(pc) =	sbr.rel .LBB2_9-.Ltmp9, $4  }
0xa8: {  	_ =	swait.ge [sflag:s15], $0x7800  }
0xa9: {  	[sflag:s15] =	ssyncset.done $0x0  }
0xaa: {  	[sflag:s15] =	ssyncadd.s32 $0xFFFF8800  }
0xab: {  	[hbm4b:s25+s3] =	stream.linear.scatter [tilespmem:s16], [sflag:$0x7], $0x7800, $0x38;
	[tilespmem:$0x1E400] =	vst v63  }
.LBB2_5:
0xac: {  	p2 =	sge.s32 s26, s5  }
0xad: {  	p3 =	slt.u32 @!p2 s26, $0x3  }
0xae: {  	p3 =	por p3, p2  }
0xaf: {  	v15 =	vlaneseq.u32 @!p2;
	s0 =	simm.s32 @!p3 $0x7  }
0xb0: {  	v15 =	vmul.u32 @!p2 $0x2, v15;
	_ =	swait.ge @!p3 [sflag:s0], $0x7800  }
0xb1: {  	s1 =	sadd.s32 @!p2 $0xFFFFFE40, s24;
	[sflag:s0] =	ssyncset.done @!p3 $0x0  }
0xb2: {  	v16 =	vor.u32 @!p2 s1, v15;
	[sflag:s0] =	ssyncadd.s32 @!p3 $0xFFFF8800;
	s0 =	sadd.s32 @!p2 $0xFFFFFE60, s24  }
0xb3: {  	[tilespmem:$0x200] =	vst @!p2 v16;
	v16 =	vor.u32 @!p2 s0, v15;
	s0 =	sadd.s32 @!p2 $0xFFFFFE80, s24  }
0xb4: {  	[tilespmem:$0x210] =	vst @!p2 v16;
	v16 =	vor.u32 @!p2 s0, v15;
	s0 =	sadd.s32 @!p2 $0xFFFFFEA0, s24  }
0xb5: {  	[tilespmem:$0x220] =	vst @!p2 v16;
	v16 =	vor.u32 @!p2 s0, v15;
	s0 =	sadd.s32 @!p2 $0xFFFFFEC0, s24  }
0xb6: {  	[tilespmem:$0x230] =	vst @!p2 v16;
	v16 =	vor.u32 @!p2 s0, v15;
	s0 =	sadd.s32 @!p2 $0xFFFFFEE0, s24  }
0xb7: {  	[tilespmem:$0x240] =	vst @!p2 v16;
	v16 =	vor.u32 @!p2 s0, v15;
	s0 =	sadd.s32 @!p2 $0xFFFFFF00, s24  }
0xb8: {  	[tilespmem:$0x250] =	vst @!p2 v16;
	v16 =	vor.u32 @!p2 s0, v15;
	s0 =	sadd.s32 @!p2 $0xFFFFFF20, s24  }
0xb9: {  	[tilespmem:$0x260] =	vst @!p2 v16;
	v16 =	vor.u32 @!p2 s0, v15;
	s0 =	sadd.s32 @!p2 $0xFFFFFF40, s24  }
0xba: {  	[tilespmem:$0x270] =	vst @!p2 v16;
	v16 =	vor.u32 @!p2 s0, v15;
	s0 =	sadd.s32 @!p2 $0xFFFFFF60, s24  }
0xbb: {  	[tilespmem:$0x280] =	vst @!p2 v16;
	v16 =	vor.u32 @!p2 s0, v15;
	s0 =	sadd.s32 @!p2 $0xFFFFFF80, s24  }
0xbc: {  	[tilespmem:$0x290] =	vst @!p2 v16;
	v16 =	vor.u32 @!p2 s0, v15;
	s0 =	sadd.s32 @!p2 $0xFFFFFFA0, s24  }
0xbd: {  	[tilespmem:$0x2A0] =	vst @!p2 v16;
	v16 =	vor.u32 @!p2 s0, v15;
	s0 =	sadd.s32 @!p2 $0xFFFFFFC0, s24  }
0xbe: {  	[tilespmem:$0x2B0] =	vst @!p2 v16;
	v16 =	vor.u32 @!p2 s0, v15;
	s0 =	sadd.s32 @!p2 $0xFFFFFFE0, s24  }
0xbf: {  	[tilespmem:$0x2C0] =	vst @!p2 v16;
	v16 =	vor.u32 @!p2 s0, v15  }
0xc0: {  	v15 =	vor.u32 @!p2 s24, v15;
	[tilespmem:$0x2D0] =	vst @!p2 v16  }
0xc1: {  	s6 =	simm.s32 @!p2 $0xF400;
	s1 =	simm.s32 @!p2 $0x200;
	s0 =	simm.s32 @!p2 $0xF0;
	[tilespmem:$0x2E0] =	vst @!p2 v15  }
0xc2: {  	[tilespmem:s6], [sflag:$0x3] =	stream.indirect.gather @!p2 [hbm4b:s2+s0], $0x80, s1, s0, $0xb8;
	[tilespmem:$0x1E400] =	vst v63  }
.Ltmp10:
0xc3: {  	_ = 	snop;
	(pc) =	sbr.rel .LBB2_9-.Ltmp10, $4  }
0xc4: {  	_ =	swait.ge [sflag:s13], $0x7800  }
0xc5: {  	[sflag:s13] =	ssyncset.done $0x0  }
0xc6: {  	[sflag:s13] =	ssyncadd.s32 $0xFFFF8800  }
0xc7: {  	[hbm4b:s25+s3] =	stream.linear.scatter [tilespmem:s14], [sflag:$0x6], $0x7800, $0x38;
	[tilespmem:$0x1E400] =	vst v63  }
.LBB2_11:
0xc8: {  	_ =	sfence.sel $0x180000  }
0xc9: {  	[bflag:$0x0] =	sbarrier.arrive $0xFFFF  }
0xca: {  	_ =	strace $0x90000047  }
0xcb: {  	s0 =	stileid.u32;
	[bflag:$0x2] =	sbarrier.arrive $0xFFFF  }
0xcc: {  	p0 =	sne.s32 s0, $0x0;
	s0 =	rddreg [dreg:$0x2]  }
0xcd: {  	s0 =	sadd.s32 @!p0 $0x100000, s0  }
0xce: {  	[sflag:s0] =	ssyncadd.tile.s32 @!p0 $0x1;
	_ =	shalt  }
.Lfunc_end2:
_tile_overlayer_lowered:
.L_overlay_start_2:
0xcf: {  	(tag) =	ssettag $0x2  }
0xd0: {  	s0 =	rddreg [dreg:$0x0];
	s2 =	stileid.u32  }
0xd1: {  	s1 =	rddreg [dreg:$0x1];
	p0 =	sne.s32 s2, $0x0  }
0xd2: {  	s3 =	rddreg [dreg:$0x2];
	[bflag:$0x3] =	sbarrier.arrive $0xFFFF;
	s2 =	simm.s32 @!p0 $0x1C09  }
0xd3: {  	[timem:s3], [sflag:s2] =	dma.local @!p0 [hbm:s0], s1  }
0xd4: {  	s0 =	simm.s32 @!p0 $0x9  }
0xd5: {  	_ =	swait.ge @!p0 [sflag:s0], s1  }
0xd6: {  	s1 =	ssub.s32 @!p0 $0x0, s1;
	[sflag:s0] =	ssyncset.done @!p0 $0x0  }
0xd7: {  	[sflag:s0] =	ssyncadd.s32 @!p0 s1  }
0xd8: {  	[bflag:$0x3] =	sbarrier.arrive $0xFFFF  }
0xd9: {  	_ =	shalt  }

</sc_bundles>
